<compile_context>
chip_gen: v7x
topology: tpu7x:2x2x1
jax: 0.10.2.dev20260603
libtpu: 0.0.44.dev20260713+nightly
codegen_flags: <defaults>
</compile_context>

<pallas_src>
import functools

import jax
import jax.numpy as jnp
from jax import lax
from jax.experimental import pallas as pl
from jax.experimental.pallas import tpu as pltpu
from jax.experimental.pallas import tpu_sc as plsc



def _argmax_body(x_ref, e_ref, ind_ref, e_n_ref, run_max_ref, run_idx_ref,
                 *, ck, nchunks):
    @pl.when(pl.program_id(0) == 0)
    def _():
        e = e_ref[...]
        nrm = jnp.sqrt(jnp.sum(e * e, axis=1, keepdims=True))
        e_n_ref[...] = (e / jnp.maximum(nrm, 1e-12)).astype(e_n_ref.dtype)

    x = x_ref[...]
    nrm = jnp.sqrt(jnp.sum(x * x, axis=1, keepdims=True))
    xn = (x / jnp.maximum(nrm, 1e-12)).astype(e_n_ref.dtype)

    run_max_ref[...] = jnp.full_like(run_max_ref, -jnp.inf)
    run_idx_ref[...] = jnp.zeros_like(run_idx_ref)

    tm = x.shape[0]
    col = lax.broadcasted_iota(jnp.int32, (tm, ck), 1).astype(jnp.float32)

    def body(c, _):
        eblk = e_n_ref[pl.ds(c * ck, ck), :]
        s = lax.dot_general(xn, eblk, (((1,), (1,)), ((), ())),
                            preferred_element_type=jnp.float32)
        m = jnp.max(s, axis=1, keepdims=True)
        idx = jnp.min(jnp.where(s >= m, col, jnp.float32(1e9)),
                      axis=1, keepdims=True)
        upd = m > run_max_ref[...]
        run_idx_ref[...] = jnp.where(
            upd, idx.astype(jnp.int32) + c * ck, run_idx_ref[...])
        run_max_ref[...] = jnp.where(upd, m, run_max_ref[...])
        return 0

    lax.fori_loop(0, nchunks, body, 0, unroll=True)
    ind_ref[0] = run_idx_ref[...]


def _argmax_indices(x_flat, table):
    m, d = x_flat.shape
    c = table.shape[0]
    tm = 2048
    ck = 1024
    grid = m // tm
    kern = functools.partial(_argmax_body, ck=ck, nchunks=c // ck)
    return pl.pallas_call(
        kern,
        grid=(grid,),
        in_specs=[
            pl.BlockSpec((tm, d), lambda i: (i, 0)),
            pl.BlockSpec((c, d), lambda i: (0, 0)),
        ],
        out_specs=pl.BlockSpec((1, tm, 1), lambda i: (i, 0, 0)),
        out_shape=jax.ShapeDtypeStruct((grid, tm, 1), jnp.int32),
        scratch_shapes=[
            pltpu.VMEM((c, d), jnp.bfloat16),
            pltpu.VMEM((tm, 1), jnp.float32),
            pltpu.VMEM((tm, 1), jnp.int32),
        ],
    )(x_flat, table)



def _make_sc_gather(v, d, m):
    info = plsc.get_sparse_core_info()
    nc, ns = info.num_cores, info.num_subcores
    nw = nc * ns
    rows_per_w = m // nw
    chunk = 128
    nchunk = rows_per_w // chunk
    mesh = plsc.VectorSubcoreMesh(core_axis_name="c", subcore_axis_name="s")

    @functools.partial(
        pl.kernel,
        mesh=mesh,
        out_type=jax.ShapeDtypeStruct((m, d), jnp.float32),
        scratch_types=[
            pltpu.VMEM((nchunk, chunk), jnp.int32),
            pltpu.VMEM((chunk, d), jnp.float32),
            pltpu.VMEM((chunk, d), jnp.float32),
            pltpu.SemaphoreType.DMA,
            pltpu.SemaphoreType.DMA,
        ],
    )
    def gather_k(table_hbm, idx_hbm, out_hbm, idx_v, rows0, rows1, sem0, sem1):
        wid = lax.axis_index("s") * nc + lax.axis_index("c")
        base = wid * rows_per_w
        pltpu.sync_copy(idx_hbm.at[pl.ds(wid * nchunk, nchunk)], idx_v)
        bufs = (rows0, rows1)
        sems = (sem0, sem1)
        cps = [pltpu.async_copy(table_hbm.at[idx_v.at[0]], bufs[0], sems[0])]
        for j in range(nchunk):
            if j + 1 < nchunk:
                cps.append(pltpu.async_copy(
                    table_hbm.at[idx_v.at[j + 1]], bufs[(j + 1) % 2],
                    sems[(j + 1) % 2]))
            cps[j].wait()
            pltpu.sync_copy(bufs[j % 2],
                            out_hbm.at[pl.ds(base + j * chunk, chunk)])

    return gather_k



def kernel(x, embed):
    b, n, d = x.shape
    h, c, _ = embed.shape
    m = b * n
    x_flat = x.reshape(m, d).astype(jnp.float32)
    table = embed.reshape(c, d).astype(jnp.float32)

    mh = m // 2
    gather = _make_sc_gather(c, d, mh)
    inds, quants = [], []
    for hlf in range(2):
        xh = lax.slice_in_dim(x_flat, hlf * mh, (hlf + 1) * mh, axis=0)
        ih = _argmax_indices(xh, table)
        inds.append(ih.reshape(mh))
        quants.append(gather(table, ih.reshape(mh // 128, 128)))

    ind_flat = jnp.concatenate(inds)
    quantize = jnp.concatenate(quants)

    return (quantize.reshape(b, n, d), ind_flat.reshape(b, n))

# --- scband reference (transcript-rebuilt; emitter-appended) ---
"""Pipeline reference for scband-cosine-sim-codebook-48232482734186 (READ-ONLY COPY).

The authoritative reference and input builder live on the scoring server;
editing this copy changes nothing except your own understanding.
"""

import jax, jax.numpy as jnp
import numpy as np


def l2norm(t, eps=1e-12):
    n = jnp.linalg.norm(t, axis=-1, keepdims=True)
    return t / jnp.maximum(n, eps)


def setup_inputs(seed: int = 0) -> dict:
    key = jax.random.key(seed)
    k1, k2 = jax.random.split(key)
    B, N, D = 32, 1024, 256
    H, C = 1, 8192  # num_codebooks, codebook_size
    x = jax.random.normal(k1, (B, N, D), dtype=jnp.float32)
    # embed init: uniform then l2-normalized, as in the torch module (no kmeans init)
    embed = jax.random.uniform(k2, (H, C, D), dtype=jnp.float32, minval=-1.0, maxval=1.0)
    embed = l2norm(embed)
    return {"x": x, "embed": embed}


def reference(x, embed):
    # eval-mode forward of CosineSimCodebook (initted=True, sample_codebook_temp=0 -> argmax)
    x = x.astype(jnp.float32)
    needs_codebook_dim = x.ndim < 4
    if needs_codebook_dim:
        x = x[None]  # add codebook head dim -> [1, B, N, D]
    shape = x.shape
    h = shape[0]
    flatten = x.reshape(h, -1, shape[-1])          # [H, B*N, D]
    flatten = l2norm(flatten)
    embed_n = l2norm(embed)                        # [H, C, D]
    dist = jnp.einsum('hnd,hcd->hnc', flatten, embed_n)  # cosine sims
    embed_ind = jnp.argmax(dist, axis=-1)          # [H, B*N]
    embed_ind = embed_ind.reshape(shape[:-1])      # [H, B, N]
    # batched embedding gather: quantize[h, b, n, :] = embed[h, embed_ind[h, b, n], :]
    quantize = jax.vmap(lambda e, i: jnp.take(e, i, axis=0))(embed, embed_ind)  # [H, B, N, D]
    if needs_codebook_dim:
        quantize = quantize[0]
        embed_ind = embed_ind[0]
    return (quantize, embed_ind)

if __name__ == "__main__":
    import jax
    _d = setup_inputs()
    print(jax.jit(kernel)(*tuple(_d.values())))

</pallas_src>

<mosaic_0001>
#map = affine_map<(d0, d1) -> (0, 0)>
module attributes {stable_mosaic.version = 14 : i64} {
  func.func @gather_k(%arg0: i32, %arg1: i32, %arg2: memref<8192x256xf32, #tpu.memory_space<hbm>>, %arg3: memref<128x128xi32, #tpu.memory_space<hbm>>, %arg4: memref<16384x256xf32, #tpu.memory_space<hbm>>, %arg5: memref<4x128xi32, #tpu.memory_space<vmem>>, %arg6: memref<128x256xf32, #tpu.memory_space<vmem>>, %arg7: memref<128x256xf32, #tpu.memory_space<vmem>>, %arg8: memref<!tpu.dma_semaphore, #tpu.memory_space<semaphore_mem>>, %arg9: memref<!tpu.dma_semaphore, #tpu.memory_space<semaphore_mem>>) attributes {dimension_semantics = [#tpu.dimension_semantics<core_parallel>, #tpu.dimension_semantics<subcore_parallel>], iteration_bounds = array<i64: 2, 16>, scalar_prefetch = 0 : i64, scratch_operands = 5 : i64, tpu.core_type = #tpu.core_type<sc_vector_subcore>, window_params = [{transform_indices = #map}, {transform_indices = #map}, {transform_indices = #map}]} {
    %mul3A = arith.constant 2 : i32
    %mul3A_0 = arith.muli %arg1, %mul3A : i32
    %add3A = arith.addi %mul3A_0, %arg0 : i32
    %mul3A_1 = arith.constant 512 : i32
    %mul3A_2 = arith.muli %add3A, %mul3A_1 : i32
    %mul3A_3 = arith.constant 4 : i32
    %mul3A_4 = arith.muli %add3A, %mul3A_3 : i32
    "tpu.region"() ({
      %run_scoped3A = tpu.sem_alloc : memref<!tpu.dma_semaphore, #tpu.memory_space<semaphore_mem>>
      %dma_start3A_67 = arith.constant 0 : i32
      %dma_start3A_68 = tpu.memref_slice %arg3[%mul3A_4, %dma_start3A_67] : memref<128x128xi32, #tpu.memory_space<hbm>> -> memref<4x128xi32, #tpu.memory_space<hbm>>
      %dma_start3A_69 = arith.constant 0 : i32
      %dma_start3A_70 = tpu.memref_slice %arg3[%mul3A_4, %dma_start3A_69] : memref<128x128xi32, #tpu.memory_space<hbm>> -> memref<4x128xi32, #tpu.memory_space<hbm>>
      tpu.enqueue_dma source(%dma_start3A_70 : memref<4x128xi32, #tpu.memory_space<hbm>>) target(%arg5 : memref<4x128xi32, #tpu.memory_space<vmem>>) target_semaphore(%run_scoped3A : memref<!tpu.dma_semaphore, #tpu.memory_space<semaphore_mem>>)
      %dma_wait3A_71 = arith.constant 0 : i32
      %dma_wait3A_72 = tpu.memref_slice %arg3[%mul3A_4, %dma_wait3A_71] : memref<128x128xi32, #tpu.memory_space<hbm>> -> memref<4x128xi32, #tpu.memory_space<hbm>>
      %dma_wait3A_73 = arith.constant 0 : i32
      %dma_wait3A_74 = tpu.memref_slice %arg3[%mul3A_4, %dma_wait3A_73] : memref<128x128xi32, #tpu.memory_space<hbm>> -> memref<4x128xi32, #tpu.memory_space<hbm>>
      tpu.wait_dma2 semaphore(%run_scoped3A : memref<!tpu.dma_semaphore, #tpu.memory_space<semaphore_mem>>) src(%dma_wait3A_74 : memref<4x128xi32, #tpu.memory_space<hbm>>) dst(%arg5 : memref<4x128xi32, #tpu.memory_space<vmem>>)
      tpu.yield
    }) : () -> ()
    %dma_start3A = arith.constant 0 : i32
    %dma_start3A_5 = arith.constant 0 : i32
    %dma_start3A_6 = tpu.memref_slice %arg5[%dma_start3A, %dma_start3A_5] : memref<4x128xi32, #tpu.memory_space<vmem>> -> memref<1x128xi32, #tpu.memory_space<vmem>>
    %dma_start3A_7 = tpu.memref_squeeze %dma_start3A_6 : memref<1x128xi32, #tpu.memory_space<vmem>> -> memref<128xi32, #tpu.memory_space<vmem>>
    %dma_start3A_8 = arith.constant 0 : i32
    %dma_start3A_9 = arith.constant 0 : i32
    %dma_start3A_10 = tpu.memref_slice %arg2[%dma_start3A_8, %dma_start3A_9] : memref<8192x256xf32, #tpu.memory_space<hbm>> -> memref<8192x256xf32, #tpu.memory_space<hbm>>
    tpu.enqueue_indirect_dma source(%dma_start3A_10 : memref<8192x256xf32, #tpu.memory_space<hbm>>) target(%arg6 : memref<128x256xf32, #tpu.memory_space<vmem>>) offsets(%dma_start3A_7 : memref<128xi32, #tpu.memory_space<vmem>>) semaphore(%arg8 : memref<!tpu.dma_semaphore, #tpu.memory_space<semaphore_mem>>)
    %dma_start3A_11 = arith.constant 1 : i32
    %dma_start3A_12 = arith.constant 0 : i32
    %dma_start3A_13 = tpu.memref_slice %arg5[%dma_start3A_11, %dma_start3A_12] : memref<4x128xi32, #tpu.memory_space<vmem>> -> memref<1x128xi32, #tpu.memory_space<vmem>>
    %dma_start3A_14 = tpu.memref_squeeze %dma_start3A_13 : memref<1x128xi32, #tpu.memory_space<vmem>> -> memref<128xi32, #tpu.memory_space<vmem>>
    %dma_start3A_15 = arith.constant 0 : i32
    %dma_start3A_16 = arith.constant 0 : i32
    %dma_start3A_17 = tpu.memref_slice %arg2[%dma_start3A_15, %dma_start3A_16] : memref<8192x256xf32, #tpu.memory_space<hbm>> -> memref<8192x256xf32, #tpu.memory_space<hbm>>
    tpu.enqueue_indirect_dma source(%dma_start3A_17 : memref<8192x256xf32, #tpu.memory_space<hbm>>) target(%arg7 : memref<128x256xf32, #tpu.memory_space<vmem>>) offsets(%dma_start3A_14 : memref<128xi32, #tpu.memory_space<vmem>>) semaphore(%arg9 : memref<!tpu.dma_semaphore, #tpu.memory_space<semaphore_mem>>)
    %dma_wait3A = arith.constant 0 : i32
    %dma_wait3A_18 = arith.constant 0 : i32
    %dma_wait3A_19 = tpu.memref_slice %arg5[%dma_wait3A, %dma_wait3A_18] : memref<4x128xi32, #tpu.memory_space<vmem>> -> memref<1x128xi32, #tpu.memory_space<vmem>>
    %dma_wait3A_20 = tpu.memref_squeeze %dma_wait3A_19 : memref<1x128xi32, #tpu.memory_space<vmem>> -> memref<128xi32, #tpu.memory_space<vmem>>
    %dma_wait3A_21 = arith.constant 0 : i32
    %dma_wait3A_22 = arith.constant 0 : i32
    %dma_wait3A_23 = tpu.memref_slice %arg2[%dma_wait3A_21, %dma_wait3A_22] : memref<8192x256xf32, #tpu.memory_space<hbm>> -> memref<8192x256xf32, #tpu.memory_space<hbm>>
    tpu.wait_indirect_dma semaphore(%arg8 : memref<!tpu.dma_semaphore, #tpu.memory_space<semaphore_mem>>) src(%dma_wait3A_23 : memref<8192x256xf32, #tpu.memory_space<hbm>>) dst(%arg6 : memref<128x256xf32, #tpu.memory_space<vmem>>)
    %add3A_24 = arith.constant 0 : i32
    %add3A_25 = arith.addi %mul3A_2, %add3A_24 : i32
    "tpu.region"() ({
      %run_scoped3A = tpu.sem_alloc : memref<!tpu.dma_semaphore, #tpu.memory_space<semaphore_mem>>
      %dma_start3A_67 = arith.constant 0 : i32
      %dma_start3A_68 = tpu.memref_slice %arg4[%add3A_25, %dma_start3A_67] : memref<16384x256xf32, #tpu.memory_space<hbm>> -> memref<128x256xf32, #tpu.memory_space<hbm>>
      %dma_start3A_69 = arith.constant 0 : i32
      %dma_start3A_70 = tpu.memref_slice %arg4[%add3A_25, %dma_start3A_69] : memref<16384x256xf32, #tpu.memory_space<hbm>> -> memref<128x256xf32, #tpu.memory_space<hbm>>
      tpu.enqueue_dma source(%arg6 : memref<128x256xf32, #tpu.memory_space<vmem>>) target(%dma_start3A_70 : memref<128x256xf32, #tpu.memory_space<hbm>>) target_semaphore(%run_scoped3A : memref<!tpu.dma_semaphore, #tpu.memory_space<semaphore_mem>>)
      %dma_wait3A_71 = arith.constant 0 : i32
      %dma_wait3A_72 = tpu.memref_slice %arg4[%add3A_25, %dma_wait3A_71] : memref<16384x256xf32, #tpu.memory_space<hbm>> -> memref<128x256xf32, #tpu.memory_space<hbm>>
      %dma_wait3A_73 = arith.constant 0 : i32
      %dma_wait3A_74 = tpu.memref_slice %arg4[%add3A_25, %dma_wait3A_73] : memref<16384x256xf32, #tpu.memory_space<hbm>> -> memref<128x256xf32, #tpu.memory_space<hbm>>
      tpu.wait_dma2 semaphore(%run_scoped3A : memref<!tpu.dma_semaphore, #tpu.memory_space<semaphore_mem>>) src(%arg6 : memref<128x256xf32, #tpu.memory_space<vmem>>) dst(%dma_wait3A_74 : memref<128x256xf32, #tpu.memory_space<hbm>>)
      tpu.yield
    }) : () -> ()
    %dma_start3A_26 = arith.constant 2 : i32
    %dma_start3A_27 = arith.constant 0 : i32
    %dma_start3A_28 = tpu.memref_slice %arg5[%dma_start3A_26, %dma_start3A_27] : memref<4x128xi32, #tpu.memory_space<vmem>> -> memref<1x128xi32, #tpu.memory_space<vmem>>
    %dma_start3A_29 = tpu.memref_squeeze %dma_start3A_28 : memref<1x128xi32, #tpu.memory_space<vmem>> -> memref<128xi32, #tpu.memory_space<vmem>>
    %dma_start3A_30 = arith.constant 0 : i32
    %dma_start3A_31 = arith.constant 0 : i32
    %dma_start3A_32 = tpu.memref_slice %arg2[%dma_start3A_30, %dma_start3A_31] : memref<8192x256xf32, #tpu.memory_space<hbm>> -> memref<8192x256xf32, #tpu.memory_space<hbm>>
    tpu.enqueue_indirect_dma source(%dma_start3A_32 : memref<8192x256xf32, #tpu.memory_space<hbm>>) target(%arg6 : memref<128x256xf32, #tpu.memory_space<vmem>>) offsets(%dma_start3A_29 : memref<128xi32, #tpu.memory_space<vmem>>) semaphore(%arg8 : memref<!tpu.dma_semaphore, #tpu.memory_space<semaphore_mem>>)
    %dma_wait3A_33 = arith.constant 1 : i32
    %dma_wait3A_34 = arith.constant 0 : i32
    %dma_wait3A_35 = tpu.memref_slice %arg5[%dma_wait3A_33, %dma_wait3A_34] : memref<4x128xi32, #tpu.memory_space<vmem>> -> memref<1x128xi32, #tpu.memory_space<vmem>>
    %dma_wait3A_36 = tpu.memref_squeeze %dma_wait3A_35 : memref<1x128xi32, #tpu.memory_space<vmem>> -> memref<128xi32, #tpu.memory_space<vmem>>
    %dma_wait3A_37 = arith.constant 0 : i32
    %dma_wait3A_38 = arith.constant 0 : i32
    %dma_wait3A_39 = tpu.memref_slice %arg2[%dma_wait3A_37, %dma_wait3A_38] : memref<8192x256xf32, #tpu.memory_space<hbm>> -> memref<8192x256xf32, #tpu.memory_space<hbm>>
    tpu.wait_indirect_dma semaphore(%arg9 : memref<!tpu.dma_semaphore, #tpu.memory_space<semaphore_mem>>) src(%dma_wait3A_39 : memref<8192x256xf32, #tpu.memory_space<hbm>>) dst(%arg7 : memref<128x256xf32, #tpu.memory_space<vmem>>)
    %add3A_40 = arith.constant 128 : i32
    %add3A_41 = arith.addi %mul3A_2, %add3A_40 : i32
    "tpu.region"() ({
      %run_scoped3A = tpu.sem_alloc : memref<!tpu.dma_semaphore, #tpu.memory_space<semaphore_mem>>
      %dma_start3A_67 = arith.constant 0 : i32
      %dma_start3A_68 = tpu.memref_slice %arg4[%add3A_41, %dma_start3A_67] : memref<16384x256xf32, #tpu.memory_space<hbm>> -> memref<128x256xf32, #tpu.memory_space<hbm>>
      %dma_start3A_69 = arith.constant 0 : i32
      %dma_start3A_70 = tpu.memref_slice %arg4[%add3A_41, %dma_start3A_69] : memref<16384x256xf32, #tpu.memory_space<hbm>> -> memref<128x256xf32, #tpu.memory_space<hbm>>
      tpu.enqueue_dma source(%arg7 : memref<128x256xf32, #tpu.memory_space<vmem>>) target(%dma_start3A_70 : memref<128x256xf32, #tpu.memory_space<hbm>>) target_semaphore(%run_scoped3A : memref<!tpu.dma_semaphore, #tpu.memory_space<semaphore_mem>>)
      %dma_wait3A_71 = arith.constant 0 : i32
      %dma_wait3A_72 = tpu.memref_slice %arg4[%add3A_41, %dma_wait3A_71] : memref<16384x256xf32, #tpu.memory_space<hbm>> -> memref<128x256xf32, #tpu.memory_space<hbm>>
      %dma_wait3A_73 = arith.constant 0 : i32
      %dma_wait3A_74 = tpu.memref_slice %arg4[%add3A_41, %dma_wait3A_73] : memref<16384x256xf32, #tpu.memory_space<hbm>> -> memref<128x256xf32, #tpu.memory_space<hbm>>
      tpu.wait_dma2 semaphore(%run_scoped3A : memref<!tpu.dma_semaphore, #tpu.memory_space<semaphore_mem>>) src(%arg7 : memref<128x256xf32, #tpu.memory_space<vmem>>) dst(%dma_wait3A_74 : memref<128x256xf32, #tpu.memory_space<hbm>>)
      tpu.yield
    }) : () -> ()
    %dma_start3A_42 = arith.constant 3 : i32
    %dma_start3A_43 = arith.constant 0 : i32
    %dma_start3A_44 = tpu.memref_slice %arg5[%dma_start3A_42, %dma_start3A_43] : memref<4x128xi32, #tpu.memory_space<vmem>> -> memref<1x128xi32, #tpu.memory_space<vmem>>
    %dma_start3A_45 = tpu.memref_squeeze %dma_start3A_44 : memref<1x128xi32, #tpu.memory_space<vmem>> -> memref<128xi32, #tpu.memory_space<vmem>>
    %dma_start3A_46 = arith.constant 0 : i32
    %dma_start3A_47 = arith.constant 0 : i32
    %dma_start3A_48 = tpu.memref_slice %arg2[%dma_start3A_46, %dma_start3A_47] : memref<8192x256xf32, #tpu.memory_space<hbm>> -> memref<8192x256xf32, #tpu.memory_space<hbm>>
    tpu.enqueue_indirect_dma source(%dma_start3A_48 : memref<8192x256xf32, #tpu.memory_space<hbm>>) target(%arg7 : memref<128x256xf32, #tpu.memory_space<vmem>>) offsets(%dma_start3A_45 : memref<128xi32, #tpu.memory_space<vmem>>) semaphore(%arg9 : memref<!tpu.dma_semaphore, #tpu.memory_space<semaphore_mem>>)
    %dma_wait3A_49 = arith.constant 2 : i32
    %dma_wait3A_50 = arith.constant 0 : i32
    %dma_wait3A_51 = tpu.memref_slice %arg5[%dma_wait3A_49, %dma_wait3A_50] : memref<4x128xi32, #tpu.memory_space<vmem>> -> memref<1x128xi32, #tpu.memory_space<vmem>>
    %dma_wait3A_52 = tpu.memref_squeeze %dma_wait3A_51 : memref<1x128xi32, #tpu.memory_space<vmem>> -> memref<128xi32, #tpu.memory_space<vmem>>
    %dma_wait3A_53 = arith.constant 0 : i32
    %dma_wait3A_54 = arith.constant 0 : i32
    %dma_wait3A_55 = tpu.memref_slice %arg2[%dma_wait3A_53, %dma_wait3A_54] : memref<8192x256xf32, #tpu.memory_space<hbm>> -> memref<8192x256xf32, #tpu.memory_space<hbm>>
    tpu.wait_indirect_dma semaphore(%arg8 : memref<!tpu.dma_semaphore, #tpu.memory_space<semaphore_mem>>) src(%dma_wait3A_55 : memref<8192x256xf32, #tpu.memory_space<hbm>>) dst(%arg6 : memref<128x256xf32, #tpu.memory_space<vmem>>)
    %add3A_56 = arith.constant 256 : i32
    %add3A_57 = arith.addi %mul3A_2, %add3A_56 : i32
    "tpu.region"() ({
      %run_scoped3A = tpu.sem_alloc : memref<!tpu.dma_semaphore, #tpu.memory_space<semaphore_mem>>
      %dma_start3A_67 = arith.constant 0 : i32
      %dma_start3A_68 = tpu.memref_slice %arg4[%add3A_57, %dma_start3A_67] : memref<16384x256xf32, #tpu.memory_space<hbm>> -> memref<128x256xf32, #tpu.memory_space<hbm>>
      %dma_start3A_69 = arith.constant 0 : i32
      %dma_start3A_70 = tpu.memref_slice %arg4[%add3A_57, %dma_start3A_69] : memref<16384x256xf32, #tpu.memory_space<hbm>> -> memref<128x256xf32, #tpu.memory_space<hbm>>
      tpu.enqueue_dma source(%arg6 : memref<128x256xf32, #tpu.memory_space<vmem>>) target(%dma_start3A_70 : memref<128x256xf32, #tpu.memory_space<hbm>>) target_semaphore(%run_scoped3A : memref<!tpu.dma_semaphore, #tpu.memory_space<semaphore_mem>>)
      %dma_wait3A_71 = arith.constant 0 : i32
      %dma_wait3A_72 = tpu.memref_slice %arg4[%add3A_57, %dma_wait3A_71] : memref<16384x256xf32, #tpu.memory_space<hbm>> -> memref<128x256xf32, #tpu.memory_space<hbm>>
      %dma_wait3A_73 = arith.constant 0 : i32
      %dma_wait3A_74 = tpu.memref_slice %arg4[%add3A_57, %dma_wait3A_73] : memref<16384x256xf32, #tpu.memory_space<hbm>> -> memref<128x256xf32, #tpu.memory_space<hbm>>
      tpu.wait_dma2 semaphore(%run_scoped3A : memref<!tpu.dma_semaphore, #tpu.memory_space<semaphore_mem>>) src(%arg6 : memref<128x256xf32, #tpu.memory_space<vmem>>) dst(%dma_wait3A_74 : memref<128x256xf32, #tpu.memory_space<hbm>>)
      tpu.yield
    }) : () -> ()
    %dma_wait3A_58 = arith.constant 3 : i32
    %dma_wait3A_59 = arith.constant 0 : i32
    %dma_wait3A_60 = tpu.memref_slice %arg5[%dma_wait3A_58, %dma_wait3A_59] : memref<4x128xi32, #tpu.memory_space<vmem>> -> memref<1x128xi32, #tpu.memory_space<vmem>>
    %dma_wait3A_61 = tpu.memref_squeeze %dma_wait3A_60 : memref<1x128xi32, #tpu.memory_space<vmem>> -> memref<128xi32, #tpu.memory_space<vmem>>
    %dma_wait3A_62 = arith.constant 0 : i32
    %dma_wait3A_63 = arith.constant 0 : i32
    %dma_wait3A_64 = tpu.memref_slice %arg2[%dma_wait3A_62, %dma_wait3A_63] : memref<8192x256xf32, #tpu.memory_space<hbm>> -> memref<8192x256xf32, #tpu.memory_space<hbm>>
    tpu.wait_indirect_dma semaphore(%arg9 : memref<!tpu.dma_semaphore, #tpu.memory_space<semaphore_mem>>) src(%dma_wait3A_64 : memref<8192x256xf32, #tpu.memory_space<hbm>>) dst(%arg7 : memref<128x256xf32, #tpu.memory_space<vmem>>)
    %add3A_65 = arith.constant 384 : i32
    %add3A_66 = arith.addi %mul3A_2, %add3A_65 : i32
    "tpu.region"() ({
      %run_scoped3A = tpu.sem_alloc : memref<!tpu.dma_semaphore, #tpu.memory_space<semaphore_mem>>
      %dma_start3A_67 = arith.constant 0 : i32
      %dma_start3A_68 = tpu.memref_slice %arg4[%add3A_66, %dma_start3A_67] : memref<16384x256xf32, #tpu.memory_space<hbm>> -> memref<128x256xf32, #tpu.memory_space<hbm>>
      %dma_start3A_69 = arith.constant 0 : i32
      %dma_start3A_70 = tpu.memref_slice %arg4[%add3A_66, %dma_start3A_69] : memref<16384x256xf32, #tpu.memory_space<hbm>> -> memref<128x256xf32, #tpu.memory_space<hbm>>
      tpu.enqueue_dma source(%arg7 : memref<128x256xf32, #tpu.memory_space<vmem>>) target(%dma_start3A_70 : memref<128x256xf32, #tpu.memory_space<hbm>>) target_semaphore(%run_scoped3A : memref<!tpu.dma_semaphore, #tpu.memory_space<semaphore_mem>>)
      %dma_wait3A_71 = arith.constant 0 : i32
      %dma_wait3A_72 = tpu.memref_slice %arg4[%add3A_66, %dma_wait3A_71] : memref<16384x256xf32, #tpu.memory_space<hbm>> -> memref<128x256xf32, #tpu.memory_space<hbm>>
      %dma_wait3A_73 = arith.constant 0 : i32
      %dma_wait3A_74 = tpu.memref_slice %arg4[%add3A_66, %dma_wait3A_73] : memref<16384x256xf32, #tpu.memory_space<hbm>> -> memref<128x256xf32, #tpu.memory_space<hbm>>
      tpu.wait_dma2 semaphore(%run_scoped3A : memref<!tpu.dma_semaphore, #tpu.memory_space<semaphore_mem>>) src(%arg7 : memref<128x256xf32, #tpu.memory_space<vmem>>) dst(%dma_wait3A_74 : memref<128x256xf32, #tpu.memory_space<hbm>>)
      tpu.yield
    }) : () -> ()
    return
  }
}

#map = affine_map<(d0, d1) -> (0, 0)>
module attributes {stable_mosaic.version = 14 : i64} {
  func.func @gather_k(%arg0: i32, %arg1: i32, %arg2: memref<8192x256xf32, #tpu.memory_space<hbm>>, %arg3: memref<128x128xi32, #tpu.memory_space<hbm>>, %arg4: memref<16384x256xf32, #tpu.memory_space<hbm>>, %arg5: memref<4x128xi32, #tpu.memory_space<vmem>>, %arg6: memref<128x256xf32, #tpu.memory_space<vmem>>, %arg7: memref<128x256xf32, #tpu.memory_space<vmem>>, %arg8: memref<!tpu.dma_semaphore, #tpu.memory_space<semaphore_mem>>, %arg9: memref<!tpu.dma_semaphore, #tpu.memory_space<semaphore_mem>>) attributes {dimension_semantics = [#tpu.dimension_semantics<core_parallel>, #tpu.dimension_semantics<subcore_parallel>], iteration_bounds = array<i64: 2, 16>, scalar_prefetch = 0 : i64, scratch_operands = 5 : i64, tpu.core_type = #tpu.core_type<sc_vector_subcore>, window_params = [{transform_indices = #map}, {transform_indices = #map}, {transform_indices = #map}]} {
    %mul3A = arith.constant 2 : i32
    %mul3A_0 = arith.muli %arg1, %mul3A : i32
    %add3A = arith.addi %mul3A_0, %arg0 : i32
    %mul3A_1 = arith.constant 512 : i32
    %mul3A_2 = arith.muli %add3A, %mul3A_1 : i32
    %mul3A_3 = arith.constant 4 : i32
    %mul3A_4 = arith.muli %add3A, %mul3A_3 : i32
    "tpu.region"() ({
      %run_scoped3A = tpu.sem_alloc : memref<!tpu.dma_semaphore, #tpu.memory_space<semaphore_mem>>
      %dma_start3A_67 = arith.constant 0 : i32
      %dma_start3A_68 = tpu.memref_slice %arg3[%mul3A_4, %dma_start3A_67] : memref<128x128xi32, #tpu.memory_space<hbm>> -> memref<4x128xi32, #tpu.memory_space<hbm>>
      %dma_start3A_69 = arith.constant 0 : i32
      %dma_start3A_70 = tpu.memref_slice %arg3[%mul3A_4, %dma_start3A_69] : memref<128x128xi32, #tpu.memory_space<hbm>> -> memref<4x128xi32, #tpu.memory_space<hbm>>
      tpu.enqueue_dma source(%dma_start3A_70 : memref<4x128xi32, #tpu.memory_space<hbm>>) target(%arg5 : memref<4x128xi32, #tpu.memory_space<vmem>>) target_semaphore(%run_scoped3A : memref<!tpu.dma_semaphore, #tpu.memory_space<semaphore_mem>>)
      %dma_wait3A_71 = arith.constant 0 : i32
      %dma_wait3A_72 = tpu.memref_slice %arg3[%mul3A_4, %dma_wait3A_71] : memref<128x128xi32, #tpu.memory_space<hbm>> -> memref<4x128xi32, #tpu.memory_space<hbm>>
      %dma_wait3A_73 = arith.constant 0 : i32
      %dma_wait3A_74 = tpu.memref_slice %arg3[%mul3A_4, %dma_wait3A_73] : memref<128x128xi32, #tpu.memory_space<hbm>> -> memref<4x128xi32, #tpu.memory_space<hbm>>
      tpu.wait_dma2 semaphore(%run_scoped3A : memref<!tpu.dma_semaphore, #tpu.memory_space<semaphore_mem>>) src(%dma_wait3A_74 : memref<4x128xi32, #tpu.memory_space<hbm>>) dst(%arg5 : memref<4x128xi32, #tpu.memory_space<vmem>>)
      tpu.yield
    }) : () -> ()
    %dma_start3A = arith.constant 0 : i32
    %dma_start3A_5 = arith.constant 0 : i32
    %dma_start3A_6 = tpu.memref_slice %arg5[%dma_start3A, %dma_start3A_5] : memref<4x128xi32, #tpu.memory_space<vmem>> -> memref<1x128xi32, #tpu.memory_space<vmem>>
    %dma_start3A_7 = tpu.memref_squeeze %dma_start3A_6 : memref<1x128xi32, #tpu.memory_space<vmem>> -> memref<128xi32, #tpu.memory_space<vmem>>
    %dma_start3A_8 = arith.constant 0 : i32
    %dma_start3A_9 = arith.constant 0 : i32
    %dma_start3A_10 = tpu.memref_slice %arg2[%dma_start3A_8, %dma_start3A_9] : memref<8192x256xf32, #tpu.memory_space<hbm>> -> memref<8192x256xf32, #tpu.memory_space<hbm>>
    tpu.enqueue_indirect_dma source(%dma_start3A_10 : memref<8192x256xf32, #tpu.memory_space<hbm>>) target(%arg6 : memref<128x256xf32, #tpu.memory_space<vmem>>) offsets(%dma_start3A_7 : memref<128xi32, #tpu.memory_space<vmem>>) semaphore(%arg8 : memref<!tpu.dma_semaphore, #tpu.memory_space<semaphore_mem>>)
    %dma_start3A_11 = arith.constant 1 : i32
    %dma_start3A_12 = arith.constant 0 : i32
    %dma_start3A_13 = tpu.memref_slice %arg5[%dma_start3A_11, %dma_start3A_12] : memref<4x128xi32, #tpu.memory_space<vmem>> -> memref<1x128xi32, #tpu.memory_space<vmem>>
    %dma_start3A_14 = tpu.memref_squeeze %dma_start3A_13 : memref<1x128xi32, #tpu.memory_space<vmem>> -> memref<128xi32, #tpu.memory_space<vmem>>
    %dma_start3A_15 = arith.constant 0 : i32
    %dma_start3A_16 = arith.constant 0 : i32
    %dma_start3A_17 = tpu.memref_slice %arg2[%dma_start3A_15, %dma_start3A_16] : memref<8192x256xf32, #tpu.memory_space<hbm>> -> memref<8192x256xf32, #tpu.memory_space<hbm>>
    tpu.enqueue_indirect_dma source(%dma_start3A_17 : memref<8192x256xf32, #tpu.memory_space<hbm>>) target(%arg7 : memref<128x256xf32, #tpu.memory_space<vmem>>) offsets(%dma_start3A_14 : memref<128xi32, #tpu.memory_space<vmem>>) semaphore(%arg9 : memref<!tpu.dma_semaphore, #tpu.memory_space<semaphore_mem>>)
    %dma_wait3A = arith.constant 0 : i32
    %dma_wait3A_18 = arith.constant 0 : i32
    %dma_wait3A_19 = tpu.memref_slice %arg5[%dma_wait3A, %dma_wait3A_18] : memref<4x128xi32, #tpu.memory_space<vmem>> -> memref<1x128xi32, #tpu.memory_space<vmem>>
    %dma_wait3A_20 = tpu.memref_squeeze %dma_wait3A_19 : memref<1x128xi32, #tpu.memory_space<vmem>> -> memref<128xi32, #tpu.memory_space<vmem>>
    %dma_wait3A_21 = arith.constant 0 : i32
    %dma_wait3A_22 = arith.constant 0 : i32
    %dma_wait3A_23 = tpu.memref_slice %arg2[%dma_wait3A_21, %dma_wait3A_22] : memref<8192x256xf32, #tpu.memory_space<hbm>> -> memref<8192x256xf32, #tpu.memory_space<hbm>>
    tpu.wait_indirect_dma semaphore(%arg8 : memref<!tpu.dma_semaphore, #tpu.memory_space<semaphore_mem>>) src(%dma_wait3A_23 : memref<8192x256xf32, #tpu.memory_space<hbm>>) dst(%arg6 : memref<128x256xf32, #tpu.memory_space<vmem>>)
    %add3A_24 = arith.constant 0 : i32
    %add3A_25 = arith.addi %mul3A_2, %add3A_24 : i32
    "tpu.region"() ({
      %run_scoped3A = tpu.sem_alloc : memref<!tpu.dma_semaphore, #tpu.memory_space<semaphore_mem>>
      %dma_start3A_67 = arith.constant 0 : i32
      %dma_start3A_68 = tpu.memref_slice %arg4[%add3A_25, %dma_start3A_67] : memref<16384x256xf32, #tpu.memory_space<hbm>> -> memref<128x256xf32, #tpu.memory_space<hbm>>
      %dma_start3A_69 = arith.constant 0 : i32
      %dma_start3A_70 = tpu.memref_slice %arg4[%add3A_25, %dma_start3A_69] : memref<16384x256xf32, #tpu.memory_space<hbm>> -> memref<128x256xf32, #tpu.memory_space<hbm>>
      tpu.enqueue_dma source(%arg6 : memref<128x256xf32, #tpu.memory_space<vmem>>) target(%dma_start3A_70 : memref<128x256xf32, #tpu.memory_space<hbm>>) target_semaphore(%run_scoped3A : memref<!tpu.dma_semaphore, #tpu.memory_space<semaphore_mem>>)
      %dma_wait3A_71 = arith.constant 0 : i32
      %dma_wait3A_72 = tpu.memref_slice %arg4[%add3A_25, %dma_wait3A_71] : memref<16384x256xf32, #tpu.memory_space<hbm>> -> memref<128x256xf32, #tpu.memory_space<hbm>>
      %dma_wait3A_73 = arith.constant 0 : i32
      %dma_wait3A_74 = tpu.memref_slice %arg4[%add3A_25, %dma_wait3A_73] : memref<16384x256xf32, #tpu.memory_space<hbm>> -> memref<128x256xf32, #tpu.memory_space<hbm>>
      tpu.wait_dma2 semaphore(%run_scoped3A : memref<!tpu.dma_semaphore, #tpu.memory_space<semaphore_mem>>) src(%arg6 : memref<128x256xf32, #tpu.memory_space<vmem>>) dst(%dma_wait3A_74 : memref<128x256xf32, #tpu.memory_space<hbm>>)
      tpu.yield
    }) : () -> ()
    %dma_start3A_26 = arith.constant 2 : i32
    %dma_start3A_27 = arith.constant 0 : i32
    %dma_start3A_28 = tpu.memref_slice %arg5[%dma_start3A_26, %dma_start3A_27] : memref<4x128xi32, #tpu.memory_space<vmem>> -> memref<1x128xi32, #tpu.memory_space<vmem>>
    %dma_start3A_29 = tpu.memref_squeeze %dma_start3A_28 : memref<1x128xi32, #tpu.memory_space<vmem>> -> memref<128xi32, #tpu.memory_space<vmem>>
    %dma_start3A_30 = arith.constant 0 : i32
    %dma_start3A_31 = arith.constant 0 : i32
    %dma_start3A_32 = tpu.memref_slice %arg2[%dma_start3A_30, %dma_start3A_31] : memref<8192x256xf32, #tpu.memory_space<hbm>> -> memref<8192x256xf32, #tpu.memory_space<hbm>>
    tpu.enqueue_indirect_dma source(%dma_start3A_32 : memref<8192x256xf32, #tpu.memory_space<hbm>>) target(%arg6 : memref<128x256xf32, #tpu.memory_space<vmem>>) offsets(%dma_start3A_29 : memref<128xi32, #tpu.memory_space<vmem>>) semaphore(%arg8 : memref<!tpu.dma_semaphore, #tpu.memory_space<semaphore_mem>>)
    %dma_wait3A_33 = arith.constant 1 : i32
    %dma_wait3A_34 = arith.constant 0 : i32
    %dma_wait3A_35 = tpu.memref_slice %arg5[%dma_wait3A_33, %dma_wait3A_34] : memref<4x128xi32, #tpu.memory_space<vmem>> -> memref<1x128xi32, #tpu.memory_space<vmem>>
    %dma_wait3A_36 = tpu.memref_squeeze %dma_wait3A_35 : memref<1x128xi32, #tpu.memory_space<vmem>> -> memref<128xi32, #tpu.memory_space<vmem>>
    %dma_wait3A_37 = arith.constant 0 : i32
    %dma_wait3A_38 = arith.constant 0 : i32
    %dma_wait3A_39 = tpu.memref_slice %arg2[%dma_wait3A_37, %dma_wait3A_38] : memref<8192x256xf32, #tpu.memory_space<hbm>> -> memref<8192x256xf32, #tpu.memory_space<hbm>>
    tpu.wait_indirect_dma semaphore(%arg9 : memref<!tpu.dma_semaphore, #tpu.memory_space<semaphore_mem>>) src(%dma_wait3A_39 : memref<8192x256xf32, #tpu.memory_space<hbm>>) dst(%arg7 : memref<128x256xf32, #tpu.memory_space<vmem>>)
    %add3A_40 = arith.constant 128 : i32
    %add3A_41 = arith.addi %mul3A_2, %add3A_40 : i32
    "tpu.region"() ({
      %run_scoped3A = tpu.sem_alloc : memref<!tpu.dma_semaphore, #tpu.memory_space<semaphore_mem>>
      %dma_start3A_67 = arith.constant 0 : i32
      %dma_start3A_68 = tpu.memref_slice %arg4[%add3A_41, %dma_start3A_67] : memref<16384x256xf32, #tpu.memory_space<hbm>> -> memref<128x256xf32, #tpu.memory_space<hbm>>
      %dma_start3A_69 = arith.constant 0 : i32
      %dma_start3A_70 = tpu.memref_slice %arg4[%add3A_41, %dma_start3A_69] : memref<16384x256xf32, #tpu.memory_space<hbm>> -> memref<128x256xf32, #tpu.memory_space<hbm>>
      tpu.enqueue_dma source(%arg7 : memref<128x256xf32, #tpu.memory_space<vmem>>) target(%dma_start3A_70 : memref<128x256xf32, #tpu.memory_space<hbm>>) target_semaphore(%run_scoped3A : memref<!tpu.dma_semaphore, #tpu.memory_space<semaphore_mem>>)
      %dma_wait3A_71 = arith.constant 0 : i32
      %dma_wait3A_72 = tpu.memref_slice %arg4[%add3A_41, %dma_wait3A_71] : memref<16384x256xf32, #tpu.memory_space<hbm>> -> memref<128x256xf32, #tpu.memory_space<hbm>>
      %dma_wait3A_73 = arith.constant 0 : i32
      %dma_wait3A_74 = tpu.memref_slice %arg4[%add3A_41, %dma_wait3A_73] : memref<16384x256xf32, #tpu.memory_space<hbm>> -> memref<128x256xf32, #tpu.memory_space<hbm>>
      tpu.wait_dma2 semaphore(%run_scoped3A : memref<!tpu.dma_semaphore, #tpu.memory_space<semaphore_mem>>) src(%arg7 : memref<128x256xf32, #tpu.memory_space<vmem>>) dst(%dma_wait3A_74 : memref<128x256xf32, #tpu.memory_space<hbm>>)
      tpu.yield
    }) : () -> ()
    %dma_start3A_42 = arith.constant 3 : i32
    %dma_start3A_43 = arith.constant 0 : i32
    %dma_start3A_44 = tpu.memref_slice %arg5[%dma_start3A_42, %dma_start3A_43] : memref<4x128xi32, #tpu.memory_space<vmem>> -> memref<1x128xi32, #tpu.memory_space<vmem>>
    %dma_start3A_45 = tpu.memref_squeeze %dma_start3A_44 : memref<1x128xi32, #tpu.memory_space<vmem>> -> memref<128xi32, #tpu.memory_space<vmem>>
    %dma_start3A_46 = arith.constant 0 : i32
    %dma_start3A_47 = arith.constant 0 : i32
    %dma_start3A_48 = tpu.memref_slice %arg2[%dma_start3A_46, %dma_start3A_47] : memref<8192x256xf32, #tpu.memory_space<hbm>> -> memref<8192x256xf32, #tpu.memory_space<hbm>>
    tpu.enqueue_indirect_dma source(%dma_start3A_48 : memref<8192x256xf32, #tpu.memory_space<hbm>>) target(%arg7 : memref<128x256xf32, #tpu.memory_space<vmem>>) offsets(%dma_start3A_45 : memref<128xi32, #tpu.memory_space<vmem>>) semaphore(%arg9 : memref<!tpu.dma_semaphore, #tpu.memory_space<semaphore_mem>>)
    %dma_wait3A_49 = arith.constant 2 : i32
    %dma_wait3A_50 = arith.constant 0 : i32
    %dma_wait3A_51 = tpu.memref_slice %arg5[%dma_wait3A_49, %dma_wait3A_50] : memref<4x128xi32, #tpu.memory_space<vmem>> -> memref<1x128xi32, #tpu.memory_space<vmem>>
    %dma_wait3A_52 = tpu.memref_squeeze %dma_wait3A_51 : memref<1x128xi32, #tpu.memory_space<vmem>> -> memref<128xi32, #tpu.memory_space<vmem>>
    %dma_wait3A_53 = arith.constant 0 : i32
    %dma_wait3A_54 = arith.constant 0 : i32
    %dma_wait3A_55 = tpu.memref_slice %arg2[%dma_wait3A_53, %dma_wait3A_54] : memref<8192x256xf32, #tpu.memory_space<hbm>> -> memref<8192x256xf32, #tpu.memory_space<hbm>>
    tpu.wait_indirect_dma semaphore(%arg8 : memref<!tpu.dma_semaphore, #tpu.memory_space<semaphore_mem>>) src(%dma_wait3A_55 : memref<8192x256xf32, #tpu.memory_space<hbm>>) dst(%arg6 : memref<128x256xf32, #tpu.memory_space<vmem>>)
    %add3A_56 = arith.constant 256 : i32
    %add3A_57 = arith.addi %mul3A_2, %add3A_56 : i32
    "tpu.region"() ({
      %run_scoped3A = tpu.sem_alloc : memref<!tpu.dma_semaphore, #tpu.memory_space<semaphore_mem>>
      %dma_start3A_67 = arith.constant 0 : i32
      %dma_start3A_68 = tpu.memref_slice %arg4[%add3A_57, %dma_start3A_67] : memref<16384x256xf32, #tpu.memory_space<hbm>> -> memref<128x256xf32, #tpu.memory_space<hbm>>
      %dma_start3A_69 = arith.constant 0 : i32
      %dma_start3A_70 = tpu.memref_slice %arg4[%add3A_57, %dma_start3A_69] : memref<16384x256xf32, #tpu.memory_space<hbm>> -> memref<128x256xf32, #tpu.memory_space<hbm>>
      tpu.enqueue_dma source(%arg6 : memref<128x256xf32, #tpu.memory_space<vmem>>) target(%dma_start3A_70 : memref<128x256xf32, #tpu.memory_space<hbm>>) target_semaphore(%run_scoped3A : memref<!tpu.dma_semaphore, #tpu.memory_space<semaphore_mem>>)
      %dma_wait3A_71 = arith.constant 0 : i32
      %dma_wait3A_72 = tpu.memref_slice %arg4[%add3A_57, %dma_wait3A_71] : memref<16384x256xf32, #tpu.memory_space<hbm>> -> memref<128x256xf32, #tpu.memory_space<hbm>>
      %dma_wait3A_73 = arith.constant 0 : i32
      %dma_wait3A_74 = tpu.memref_slice %arg4[%add3A_57, %dma_wait3A_73] : memref<16384x256xf32, #tpu.memory_space<hbm>> -> memref<128x256xf32, #tpu.memory_space<hbm>>
      tpu.wait_dma2 semaphore(%run_scoped3A : memref<!tpu.dma_semaphore, #tpu.memory_space<semaphore_mem>>) src(%arg6 : memref<128x256xf32, #tpu.memory_space<vmem>>) dst(%dma_wait3A_74 : memref<128x256xf32, #tpu.memory_space<hbm>>)
      tpu.yield
    }) : () -> ()
    %dma_wait3A_58 = arith.constant 3 : i32
    %dma_wait3A_59 = arith.constant 0 : i32
    %dma_wait3A_60 = tpu.memref_slice %arg5[%dma_wait3A_58, %dma_wait3A_59] : memref<4x128xi32, #tpu.memory_space<vmem>> -> memref<1x128xi32, #tpu.memory_space<vmem>>
    %dma_wait3A_61 = tpu.memref_squeeze %dma_wait3A_60 : memref<1x128xi32, #tpu.memory_space<vmem>> -> memref<128xi32, #tpu.memory_space<vmem>>
    %dma_wait3A_62 = arith.constant 0 : i32
    %dma_wait3A_63 = arith.constant 0 : i32
    %dma_wait3A_64 = tpu.memref_slice %arg2[%dma_wait3A_62, %dma_wait3A_63] : memref<8192x256xf32, #tpu.memory_space<hbm>> -> memref<8192x256xf32, #tpu.memory_space<hbm>>
    tpu.wait_indirect_dma semaphore(%arg9 : memref<!tpu.dma_semaphore, #tpu.memory_space<semaphore_mem>>) src(%dma_wait3A_64 : memref<8192x256xf32, #tpu.memory_space<hbm>>) dst(%arg7 : memref<128x256xf32, #tpu.memory_space<vmem>>)
    %add3A_65 = arith.constant 384 : i32
    %add3A_66 = arith.addi %mul3A_2, %add3A_65 : i32
    "tpu.region"() ({
      %run_scoped3A = tpu.sem_alloc : memref<!tpu.dma_semaphore, #tpu.memory_space<semaphore_mem>>
      %dma_start3A_67 = arith.constant 0 : i32
      %dma_start3A_68 = tpu.memref_slice %arg4[%add3A_66, %dma_start3A_67] : memref<16384x256xf32, #tpu.memory_space<hbm>> -> memref<128x256xf32, #tpu.memory_space<hbm>>
      %dma_start3A_69 = arith.constant 0 : i32
      %dma_start3A_70 = tpu.memref_slice %arg4[%add3A_66, %dma_start3A_69] : memref<16384x256xf32, #tpu.memory_space<hbm>> -> memref<128x256xf32, #tpu.memory_space<hbm>>
      tpu.enqueue_dma source(%arg7 : memref<128x256xf32, #tpu.memory_space<vmem>>) target(%dma_start3A_70 : memref<128x256xf32, #tpu.memory_space<hbm>>) target_semaphore(%run_scoped3A : memref<!tpu.dma_semaphore, #tpu.memory_space<semaphore_mem>>)
      %dma_wait3A_71 = arith.constant 0 : i32
      %dma_wait3A_72 = tpu.memref_slice %arg4[%add3A_66, %dma_wait3A_71] : memref<16384x256xf32, #tpu.memory_space<hbm>> -> memref<128x256xf32, #tpu.memory_space<hbm>>
      %dma_wait3A_73 = arith.constant 0 : i32
      %dma_wait3A_74 = tpu.memref_slice %arg4[%add3A_66, %dma_wait3A_73] : memref<16384x256xf32, #tpu.memory_space<hbm>> -> memref<128x256xf32, #tpu.memory_space<hbm>>
      tpu.wait_dma2 semaphore(%run_scoped3A : memref<!tpu.dma_semaphore, #tpu.memory_space<semaphore_mem>>) src(%arg7 : memref<128x256xf32, #tpu.memory_space<vmem>>) dst(%dma_wait3A_74 : memref<128x256xf32, #tpu.memory_space<hbm>>)
      tpu.yield
    }) : () -> ()
    return
  }
}

module attributes {stable_mosaic.version = 14 : i64} {
  func.func @_argmax_body(%arg0: i32, %arg1: memref<2048x256xf32, #tpu.memory_space<vmem>>, %arg2: memref<8192x256xf32, #tpu.memory_space<vmem>>, %arg3: memref<1x2048x1xi32, #tpu.memory_space<vmem>>, %arg4: memref<8192x256xbf16, #tpu.memory_space<vmem>>, %arg5: memref<2048x1xf32, #tpu.memory_space<vmem>>, %arg6: memref<2048x1xi32, #tpu.memory_space<vmem>>) attributes {dimension_semantics = [#tpu.dimension_semantics<arbitrary>], iteration_bounds = array<i64: 8>, scalar_prefetch = 0 : i64, scratch_operands = 3 : i64, tpu.core_type = #tpu.core_type<tc>, window_params = [{transform_indices = @transform_0, window_bounds = array<i64: 2048, 256>}, {pipeline_mode = #tpu.pipeline_mode<synchronous>, transform_indices = @transform_1, window_bounds = array<i64: 8192, 256>}, {transform_indices = @transform_2, window_bounds = array<i64: 1, 2048, 1>}]} {
    %eq3A = arith.constant 0 : i32
    %eq3A_0 = arith.cmpi eq, %arg0, %eq3A : i32
    %convert_element_type3A = arith.extui %eq3A_0 : i1 to i32
    %cond3A = arith.constant 0 : i32
    %cond3A_1 = arith.cmpi ne, %convert_element_type3A, %cond3A : i32
    scf.if %cond3A_1 {
      %get3A_356 = arith.constant 0 : index
      %get3A_357 = arith.constant 0 : index
      %get3A_358 = vector.load %arg2[%get3A_356, %get3A_357] : memref<8192x256xf32, #tpu.memory_space<vmem>>, vector<8192x256xf32>
      %mul3A_359 = arith.mulf %get3A_358, %get3A_358 : vector<8192x256xf32>
      %reduce_sum3A_360 = arith.constant dense<0.000000e+00> : vector<8192xf32>
      %reduce_sum3A_361 = vector.multi_reduction <add>, %mul3A_359, %reduce_sum3A_360 [1] : vector<8192x256xf32> to vector<8192xf32>
      %broadcast_in_dim3A_362 = vector.shape_cast %reduce_sum3A_361 : vector<8192xf32> to vector<8192x1xf32>
      %sqrt3A_363 = math.sqrt %broadcast_in_dim3A_362 : vector<8192x1xf32>
      %max3A_364 = arith.constant 9.99999996E-13 : f32
      %max3A_365 = vector.broadcast %max3A_364 : f32 to vector<8192x1xf32>
      %max3A_366 = arith.maximumf %sqrt3A_363, %max3A_365 : vector<8192x1xf32>
      %div3A_367 = vector.broadcast %max3A_366 : vector<8192x1xf32> to vector<8192x256xf32>
      %div3A_368 = arith.divf %get3A_358, %div3A_367 : vector<8192x256xf32>
      %convert_element_type3A_369 = arith.truncf %div3A_368 : vector<8192x256xf32> to vector<8192x256xbf16>
      %swap3A_370 = arith.constant 0 : index
      %swap3A_371 = arith.constant 0 : index
      %swap3A_372 = vector.load %arg4[%swap3A_370, %swap3A_371] : memref<8192x256xbf16, #tpu.memory_space<vmem>>, vector<8192x256xbf16>
      tpu.vector_store %arg4[%swap3A_370, %swap3A_371], %convert_element_type3A_369 {strides = array<i32>} : memref<8192x256xbf16, #tpu.memory_space<vmem>>, vector<8192x256xbf16>,
    } else {
    }
    %get3A = arith.constant 0 : index
    %get3A_2 = arith.constant 0 : index
    %get3A_3 = vector.load %arg1[%get3A, %get3A_2] : memref<2048x256xf32, #tpu.memory_space<vmem>>, vector<2048x256xf32>
    %mul3A = arith.mulf %get3A_3, %get3A_3 : vector<2048x256xf32>
    %reduce_sum3A = arith.constant dense<0.000000e+00> : vector<2048xf32>
    %reduce_sum3A_4 = vector.multi_reduction <add>, %mul3A, %reduce_sum3A [1] : vector<2048x256xf32> to vector<2048xf32>
    %broadcast_in_dim3A = vector.shape_cast %reduce_sum3A_4 : vector<2048xf32> to vector<2048x1xf32>
    %sqrt3A = math.sqrt %broadcast_in_dim3A : vector<2048x1xf32>
    %max3A = arith.constant 9.99999996E-13 : f32
    %max3A_5 = vector.broadcast %max3A : f32 to vector<2048x1xf32>
    %max3A_6 = arith.maximumf %sqrt3A, %max3A_5 : vector<2048x1xf32>
    %div3A = vector.broadcast %max3A_6 : vector<2048x1xf32> to vector<2048x256xf32>
    %div3A_7 = arith.divf %get3A_3, %div3A : vector<2048x256xf32>
    %convert_element_type3A_8 = arith.truncf %div3A_7 : vector<2048x256xf32> to vector<2048x256xbf16>
    %broadcast_in_dim3A_9 = arith.constant 0xFF800000 : f32
    %broadcast_in_dim3A_10 = vector.broadcast %broadcast_in_dim3A_9 : f32 to vector<2048x1xf32>
    %swap3A = arith.constant 0 : index
    %swap3A_11 = arith.constant 0 : index
    %swap3A_12 = vector.load %arg5[%swap3A, %swap3A_11] : memref<2048x1xf32, #tpu.memory_space<vmem>>, vector<2048x1xf32>
    tpu.vector_store %arg5[%swap3A, %swap3A_11], %broadcast_in_dim3A_10 {strides = array<i32>} : memref<2048x1xf32, #tpu.memory_space<vmem>>, vector<2048x1xf32>,
    %broadcast_in_dim3A_13 = arith.constant 0 : i32
    %broadcast_in_dim3A_14 = vector.broadcast %broadcast_in_dim3A_13 : i32 to vector<2048x1xi32>
    %swap3A_15 = arith.constant 0 : index
    %swap3A_16 = arith.constant 0 : index
    %swap3A_17 = vector.load %arg6[%swap3A_15, %swap3A_16] : memref<2048x1xi32, #tpu.memory_space<vmem>>, vector<2048x1xi32>
    tpu.vector_store %arg6[%swap3A_15, %swap3A_16], %broadcast_in_dim3A_14 {strides = array<i32>} : memref<2048x1xi32, #tpu.memory_space<vmem>>, vector<2048x1xi32>,
    %iota3A = tpu.iota {dimensions = array<i32: 1>} : vector<2048x1024xi32>
    %convert_element_type3A_18 = arith.sitofp %iota3A : vector<2048x1024xi32> to vector<2048x1024xf32>
    %scan3A = arith.constant 0 : i32
    %mul3A_19 = arith.constant 1024 : i32
    %mul3A_20 = arith.muli %scan3A, %mul3A_19 : i32
    %get3A_21 = arith.index_cast %mul3A_20 : i32 to index
    %get3A_22 = arith.constant 0 : index
    %get3A_23 = vector.load %arg4[%get3A_21, %get3A_22] : memref<8192x256xbf16, #tpu.memory_space<vmem>>, vector<1024x256xbf16>
    %dot_general3A = arith.constant dense<0.000000e+00> : vector<2048x1024xf32>
    %dot_general3A_24 = tpu.matmul %convert_element_type3A_8, %get3A_23, %dot_general3A {dimension_numbers = #tpu.dot_dimension_numbers<[1], [1], [0], [0], [0, 0, 1, 0], [], []>, transpose_lhs_hint = false} : vector<2048x256xbf16>, vector<1024x256xbf16>, vector<2048x1024xf32> -> vector<2048x1024xf32>
    %reduce_max3A = arith.constant dense<0xFF800000> : vector<2048xf32>
    %reduce_max3A_25 = vector.multi_reduction <maximumf>, %dot_general3A_24, %reduce_max3A [1] : vector<2048x1024xf32> to vector<2048xf32>
    %broadcast_in_dim3A_26 = vector.shape_cast %reduce_max3A_25 : vector<2048xf32> to vector<2048x1xf32>
    %ge3A = vector.broadcast %broadcast_in_dim3A_26 : vector<2048x1xf32> to vector<2048x1024xf32>
    %ge3A_27 = arith.cmpf oge, %dot_general3A_24, %ge3A : vector<2048x1024xf32>
    %jit3A = arith.constant 1.000000e+09 : f32
    %broadcast_in_dim3A_28 = vector.broadcast %jit3A : f32 to vector<2048x1024xf32>
    %select_n3A = arith.select %ge3A_27, %convert_element_type3A_18, %broadcast_in_dim3A_28 : vector<2048x1024xi1>, vector<2048x1024xf32>
    %reduce_min3A = arith.constant dense<0x7F800000> : vector<2048xf32>
    %reduce_min3A_29 = vector.multi_reduction <minimumf>, %select_n3A, %reduce_min3A [1] : vector<2048x1024xf32> to vector<2048xf32>
    %broadcast_in_dim3A_30 = vector.shape_cast %reduce_min3A_29 : vector<2048xf32> to vector<2048x1xf32>
    %get3A_31 = arith.constant 0 : index
    %get3A_32 = arith.constant 0 : index
    %get3A_33 = vector.load %arg5[%get3A_31, %get3A_32] : memref<2048x1xf32, #tpu.memory_space<vmem>>, vector<2048x1xf32>
    %gt3A = arith.cmpf ogt, %broadcast_in_dim3A_26, %get3A_33 : vector<2048x1xf32>
    %convert_element_type3A_34 = arith.fptosi %broadcast_in_dim3A_30 : vector<2048x1xf32> to vector<2048x1xi32>
    %mul3A_35 = arith.constant 1024 : i32
    %mul3A_36 = arith.muli %scan3A, %mul3A_35 : i32
    %add3A = vector.broadcast %mul3A_36 : i32 to vector<2048x1xi32>
    %add3A_37 = arith.addi %convert_element_type3A_34, %add3A : vector<2048x1xi32>
    %get3A_38 = arith.constant 0 : index
    %get3A_39 = arith.constant 0 : index
    %get3A_40 = vector.load %arg6[%get3A_38, %get3A_39] : memref<2048x1xi32, #tpu.memory_space<vmem>>, vector<2048x1xi32>
    %select_n3A_41 = arith.select %gt3A, %add3A_37, %get3A_40 : vector<2048x1xi1>, vector<2048x1xi32>
    %swap3A_42 = arith.constant 0 : index
    %swap3A_43 = arith.constant 0 : index
    %swap3A_44 = vector.load %arg6[%swap3A_42, %swap3A_43] : memref<2048x1xi32, #tpu.memory_space<vmem>>, vector<2048x1xi32>
    tpu.vector_store %arg6[%swap3A_42, %swap3A_43], %select_n3A_41 {strides = array<i32>} : memref<2048x1xi32, #tpu.memory_space<vmem>>, vector<2048x1xi32>,
    %get3A_45 = arith.constant 0 : index
    %get3A_46 = arith.constant 0 : index
    %get3A_47 = vector.load %arg5[%get3A_45, %get3A_46] : memref<2048x1xf32, #tpu.memory_space<vmem>>, vector<2048x1xf32>
    %select_n3A_48 = arith.select %gt3A, %broadcast_in_dim3A_26, %get3A_47 : vector<2048x1xi1>, vector<2048x1xf32>
    %swap3A_49 = arith.constant 0 : index
    %swap3A_50 = arith.constant 0 : index
    %swap3A_51 = vector.load %arg5[%swap3A_49, %swap3A_50] : memref<2048x1xf32, #tpu.memory_space<vmem>>, vector<2048x1xf32>
    tpu.vector_store %arg5[%swap3A_49, %swap3A_50], %select_n3A_48 {strides = array<i32>} : memref<2048x1xf32, #tpu.memory_space<vmem>>, vector<2048x1xf32>,
    %scan3A_52 = arith.constant 1 : i32
    %mul3A_53 = arith.constant 1024 : i32
    %mul3A_54 = arith.muli %scan3A_52, %mul3A_53 : i32
    %get3A_55 = arith.index_cast %mul3A_54 : i32 to index
    %get3A_56 = arith.constant 0 : index
    %get3A_57 = vector.load %arg4[%get3A_55, %get3A_56] : memref<8192x256xbf16, #tpu.memory_space<vmem>>, vector<1024x256xbf16>
    %dot_general3A_58 = arith.constant dense<0.000000e+00> : vector<2048x1024xf32>
    %dot_general3A_59 = tpu.matmul %convert_element_type3A_8, %get3A_57, %dot_general3A_58 {dimension_numbers = #tpu.dot_dimension_numbers<[1], [1], [0], [0], [0, 0, 1, 0], [], []>, transpose_lhs_hint = false} : vector<2048x256xbf16>, vector<1024x256xbf16>, vector<2048x1024xf32> -> vector<2048x1024xf32>
    %reduce_max3A_60 = arith.constant dense<0xFF800000> : vector<2048xf32>
    %reduce_max3A_61 = vector.multi_reduction <maximumf>, %dot_general3A_59, %reduce_max3A_60 [1] : vector<2048x1024xf32> to vector<2048xf32>
    %broadcast_in_dim3A_62 = vector.shape_cast %reduce_max3A_61 : vector<2048xf32> to vector<2048x1xf32>
    %ge3A_63 = vector.broadcast %broadcast_in_dim3A_62 : vector<2048x1xf32> to vector<2048x1024xf32>
    %ge3A_64 = arith.cmpf oge, %dot_general3A_59, %ge3A_63 : vector<2048x1024xf32>
    %jit3A_65 = arith.constant 1.000000e+09 : f32
    %broadcast_in_dim3A_66 = vector.broadcast %jit3A_65 : f32 to vector<2048x1024xf32>
    %select_n3A_67 = arith.select %ge3A_64, %convert_element_type3A_18, %broadcast_in_dim3A_66 : vector<2048x1024xi1>, vector<2048x1024xf32>
    %reduce_min3A_68 = arith.constant dense<0x7F800000> : vector<2048xf32>
    %reduce_min3A_69 = vector.multi_reduction <minimumf>, %select_n3A_67, %reduce_min3A_68 [1] : vector<2048x1024xf32> to vector<2048xf32>
    %broadcast_in_dim3A_70 = vector.shape_cast %reduce_min3A_69 : vector<2048xf32> to vector<2048x1xf32>
    %get3A_71 = arith.constant 0 : index
    %get3A_72 = arith.constant 0 : index
    %get3A_73 = vector.load %arg5[%get3A_71, %get3A_72] : memref<2048x1xf32, #tpu.memory_space<vmem>>, vector<2048x1xf32>
    %gt3A_74 = arith.cmpf ogt, %broadcast_in_dim3A_62, %get3A_73 : vector<2048x1xf32>
    %convert_element_type3A_75 = arith.fptosi %broadcast_in_dim3A_70 : vector<2048x1xf32> to vector<2048x1xi32>
    %mul3A_76 = arith.constant 1024 : i32
    %mul3A_77 = arith.muli %scan3A_52, %mul3A_76 : i32
    %add3A_78 = vector.broadcast %mul3A_77 : i32 to vector<2048x1xi32>
    %add3A_79 = arith.addi %convert_element_type3A_75, %add3A_78 : vector<2048x1xi32>
    %get3A_80 = arith.constant 0 : index
    %get3A_81 = arith.constant 0 : index
    %get3A_82 = vector.load %arg6[%get3A_80, %get3A_81] : memref<2048x1xi32, #tpu.memory_space<vmem>>, vector<2048x1xi32>
    %select_n3A_83 = arith.select %gt3A_74, %add3A_79, %get3A_82 : vector<2048x1xi1>, vector<2048x1xi32>
    %swap3A_84 = arith.constant 0 : index
    %swap3A_85 = arith.constant 0 : index
    %swap3A_86 = vector.load %arg6[%swap3A_84, %swap3A_85] : memref<2048x1xi32, #tpu.memory_space<vmem>>, vector<2048x1xi32>
    tpu.vector_store %arg6[%swap3A_84, %swap3A_85], %select_n3A_83 {strides = array<i32>} : memref<2048x1xi32, #tpu.memory_space<vmem>>, vector<2048x1xi32>,
    %get3A_87 = arith.constant 0 : index
    %get3A_88 = arith.constant 0 : index
    %get3A_89 = vector.load %arg5[%get3A_87, %get3A_88] : memref<2048x1xf32, #tpu.memory_space<vmem>>, vector<2048x1xf32>
    %select_n3A_90 = arith.select %gt3A_74, %broadcast_in_dim3A_62, %get3A_89 : vector<2048x1xi1>, vector<2048x1xf32>
    %swap3A_91 = arith.constant 0 : index
    %swap3A_92 = arith.constant 0 : index
    %swap3A_93 = vector.load %arg5[%swap3A_91, %swap3A_92] : memref<2048x1xf32, #tpu.memory_space<vmem>>, vector<2048x1xf32>
    tpu.vector_store %arg5[%swap3A_91, %swap3A_92], %select_n3A_90 {strides = array<i32>} : memref<2048x1xf32, #tpu.memory_space<vmem>>, vector<2048x1xf32>,
    %scan3A_94 = arith.constant 2 : i32
    %mul3A_95 = arith.constant 1024 : i32
    %mul3A_96 = arith.muli %scan3A_94, %mul3A_95 : i32
    %get3A_97 = arith.index_cast %mul3A_96 : i32 to index
    %get3A_98 = arith.constant 0 : index
    %get3A_99 = vector.load %arg4[%get3A_97, %get3A_98] : memref<8192x256xbf16, #tpu.memory_space<vmem>>, vector<1024x256xbf16>
    %dot_general3A_100 = arith.constant dense<0.000000e+00> : vector<2048x1024xf32>
    %dot_general3A_101 = tpu.matmul %convert_element_type3A_8, %get3A_99, %dot_general3A_100 {dimension_numbers = #tpu.dot_dimension_numbers<[1], [1], [0], [0], [0, 0, 1, 0], [], []>, transpose_lhs_hint = false} : vector<2048x256xbf16>, vector<1024x256xbf16>, vector<2048x1024xf32> -> vector<2048x1024xf32>
    %reduce_max3A_102 = arith.constant dense<0xFF800000> : vector<2048xf32>
    %reduce_max3A_103 = vector.multi_reduction <maximumf>, %dot_general3A_101, %reduce_max3A_102 [1] : vector<2048x1024xf32> to vector<2048xf32>
    %broadcast_in_dim3A_104 = vector.shape_cast %reduce_max3A_103 : vector<2048xf32> to vector<2048x1xf32>
    %ge3A_105 = vector.broadcast %broadcast_in_dim3A_104 : vector<2048x1xf32> to vector<2048x1024xf32>
    %ge3A_106 = arith.cmpf oge, %dot_general3A_101, %ge3A_105 : vector<2048x1024xf32>
    %jit3A_107 = arith.constant 1.000000e+09 : f32
    %broadcast_in_dim3A_108 = vector.broadcast %jit3A_107 : f32 to vector<2048x1024xf32>
    %select_n3A_109 = arith.select %ge3A_106, %convert_element_type3A_18, %broadcast_in_dim3A_108 : vector<2048x1024xi1>, vector<2048x1024xf32>
    %reduce_min3A_110 = arith.constant dense<0x7F800000> : vector<2048xf32>
    %reduce_min3A_111 = vector.multi_reduction <minimumf>, %select_n3A_109, %reduce_min3A_110 [1] : vector<2048x1024xf32> to vector<2048xf32>
    %broadcast_in_dim3A_112 = vector.shape_cast %reduce_min3A_111 : vector<2048xf32> to vector<2048x1xf32>
    %get3A_113 = arith.constant 0 : index
    %get3A_114 = arith.constant 0 : index
    %get3A_115 = vector.load %arg5[%get3A_113, %get3A_114] : memref<2048x1xf32, #tpu.memory_space<vmem>>, vector<2048x1xf32>
    %gt3A_116 = arith.cmpf ogt, %broadcast_in_dim3A_104, %get3A_115 : vector<2048x1xf32>
    %convert_element_type3A_117 = arith.fptosi %broadcast_in_dim3A_112 : vector<2048x1xf32> to vector<2048x1xi32>
    %mul3A_118 = arith.constant 1024 : i32
    %mul3A_119 = arith.muli %scan3A_94, %mul3A_118 : i32
    %add3A_120 = vector.broadcast %mul3A_119 : i32 to vector<2048x1xi32>
    %add3A_121 = arith.addi %convert_element_type3A_117, %add3A_120 : vector<2048x1xi32>
    %get3A_122 = arith.constant 0 : index
    %get3A_123 = arith.constant 0 : index
    %get3A_124 = vector.load %arg6[%get3A_122, %get3A_123] : memref<2048x1xi32, #tpu.memory_space<vmem>>, vector<2048x1xi32>
    %select_n3A_125 = arith.select %gt3A_116, %add3A_121, %get3A_124 : vector<2048x1xi1>, vector<2048x1xi32>
    %swap3A_126 = arith.constant 0 : index
    %swap3A_127 = arith.constant 0 : index
    %swap3A_128 = vector.load %arg6[%swap3A_126, %swap3A_127] : memref<2048x1xi32, #tpu.memory_space<vmem>>, vector<2048x1xi32>
    tpu.vector_store %arg6[%swap3A_126, %swap3A_127], %select_n3A_125 {strides = array<i32>} : memref<2048x1xi32, #tpu.memory_space<vmem>>, vector<2048x1xi32>,
    %get3A_129 = arith.constant 0 : index
    %get3A_130 = arith.constant 0 : index
    %get3A_131 = vector.load %arg5[%get3A_129, %get3A_130] : memref<2048x1xf32, #tpu.memory_space<vmem>>, vector<2048x1xf32>
    %select_n3A_132 = arith.select %gt3A_116, %broadcast_in_dim3A_104, %get3A_131 : vector<2048x1xi1>, vector<2048x1xf32>
    %swap3A_133 = arith.constant 0 : index
    %swap3A_134 = arith.constant 0 : index
    %swap3A_135 = vector.load %arg5[%swap3A_133, %swap3A_134] : memref<2048x1xf32, #tpu.memory_space<vmem>>, vector<2048x1xf32>
    tpu.vector_store %arg5[%swap3A_133, %swap3A_134], %select_n3A_132 {strides = array<i32>} : memref<2048x1xf32, #tpu.memory_space<vmem>>, vector<2048x1xf32>,
    %scan3A_136 = arith.constant 3 : i32
    %mul3A_137 = arith.constant 1024 : i32
    %mul3A_138 = arith.muli %scan3A_136, %mul3A_137 : i32
    %get3A_139 = arith.index_cast %mul3A_138 : i32 to index
    %get3A_140 = arith.constant 0 : index
    %get3A_141 = vector.load %arg4[%get3A_139, %get3A_140] : memref<8192x256xbf16, #tpu.memory_space<vmem>>, vector<1024x256xbf16>
    %dot_general3A_142 = arith.constant dense<0.000000e+00> : vector<2048x1024xf32>
    %dot_general3A_143 = tpu.matmul %convert_element_type3A_8, %get3A_141, %dot_general3A_142 {dimension_numbers = #tpu.dot_dimension_numbers<[1], [1], [0], [0], [0, 0, 1, 0], [], []>, transpose_lhs_hint = false} : vector<2048x256xbf16>, vector<1024x256xbf16>, vector<2048x1024xf32> -> vector<2048x1024xf32>
    %reduce_max3A_144 = arith.constant dense<0xFF800000> : vector<2048xf32>
    %reduce_max3A_145 = vector.multi_reduction <maximumf>, %dot_general3A_143, %reduce_max3A_144 [1] : vector<2048x1024xf32> to vector<2048xf32>
    %broadcast_in_dim3A_146 = vector.shape_cast %reduce_max3A_145 : vector<2048xf32> to vector<2048x1xf32>
    %ge3A_147 = vector.broadcast %broadcast_in_dim3A_146 : vector<2048x1xf32> to vector<2048x1024xf32>
    %ge3A_148 = arith.cmpf oge, %dot_general3A_143, %ge3A_147 : vector<2048x1024xf32>
    %jit3A_149 = arith.constant 1.000000e+09 : f32
    %broadcast_in_dim3A_150 = vector.broadcast %jit3A_149 : f32 to vector<2048x1024xf32>
    %select_n3A_151 = arith.select %ge3A_148, %convert_element_type3A_18, %broadcast_in_dim3A_150 : vector<2048x1024xi1>, vector<2048x1024xf32>
    %reduce_min3A_152 = arith.constant dense<0x7F800000> : vector<2048xf32>
    %reduce_min3A_153 = vector.multi_reduction <minimumf>, %select_n3A_151, %reduce_min3A_152 [1] : vector<2048x1024xf32> to vector<2048xf32>
    %broadcast_in_dim3A_154 = vector.shape_cast %reduce_min3A_153 : vector<2048xf32> to vector<2048x1xf32>
    %get3A_155 = arith.constant 0 : index
    %get3A_156 = arith.constant 0 : index
    %get3A_157 = vector.load %arg5[%get3A_155, %get3A_156] : memref<2048x1xf32, #tpu.memory_space<vmem>>, vector<2048x1xf32>
    %gt3A_158 = arith.cmpf ogt, %broadcast_in_dim3A_146, %get3A_157 : vector<2048x1xf32>
    %convert_element_type3A_159 = arith.fptosi %broadcast_in_dim3A_154 : vector<2048x1xf32> to vector<2048x1xi32>
    %mul3A_160 = arith.constant 1024 : i32
    %mul3A_161 = arith.muli %scan3A_136, %mul3A_160 : i32
    %add3A_162 = vector.broadcast %mul3A_161 : i32 to vector<2048x1xi32>
    %add3A_163 = arith.addi %convert_element_type3A_159, %add3A_162 : vector<2048x1xi32>
    %get3A_164 = arith.constant 0 : index
    %get3A_165 = arith.constant 0 : index
    %get3A_166 = vector.load %arg6[%get3A_164, %get3A_165] : memref<2048x1xi32, #tpu.memory_space<vmem>>, vector<2048x1xi32>
    %select_n3A_167 = arith.select %gt3A_158, %add3A_163, %get3A_166 : vector<2048x1xi1>, vector<2048x1xi32>
    %swap3A_168 = arith.constant 0 : index
    %swap3A_169 = arith.constant 0 : index
    %swap3A_170 = vector.load %arg6[%swap3A_168, %swap3A_169] : memref<2048x1xi32, #tpu.memory_space<vmem>>, vector<2048x1xi32>
    tpu.vector_store %arg6[%swap3A_168, %swap3A_169], %select_n3A_167 {strides = array<i32>} : memref<2048x1xi32, #tpu.memory_space<vmem>>, vector<2048x1xi32>,
    %get3A_171 = arith.constant 0 : index
    %get3A_172 = arith.constant 0 : index
    %get3A_173 = vector.load %arg5[%get3A_171, %get3A_172] : memref<2048x1xf32, #tpu.memory_space<vmem>>, vector<2048x1xf32>
    %select_n3A_174 = arith.select %gt3A_158, %broadcast_in_dim3A_146, %get3A_173 : vector<2048x1xi1>, vector<2048x1xf32>
    %swap3A_175 = arith.constant 0 : index
    %swap3A_176 = arith.constant 0 : index
    %swap3A_177 = vector.load %arg5[%swap3A_175, %swap3A_176] : memref<2048x1xf32, #tpu.memory_space<vmem>>, vector<2048x1xf32>
    tpu.vector_store %arg5[%swap3A_175, %swap3A_176], %select_n3A_174 {strides = array<i32>} : memref<2048x1xf32, #tpu.memory_space<vmem>>, vector<2048x1xf32>,
    %scan3A_178 = arith.constant 4 : i32
    %mul3A_179 = arith.constant 1024 : i32
    %mul3A_180 = arith.muli %scan3A_178, %mul3A_179 : i32
    %get3A_181 = arith.index_cast %mul3A_180 : i32 to index
    %get3A_182 = arith.constant 0 : index
    %get3A_183 = vector.load %arg4[%get3A_181, %get3A_182] : memref<8192x256xbf16, #tpu.memory_space<vmem>>, vector<1024x256xbf16>
    %dot_general3A_184 = arith.constant dense<0.000000e+00> : vector<2048x1024xf32>
    %dot_general3A_185 = tpu.matmul %convert_element_type3A_8, %get3A_183, %dot_general3A_184 {dimension_numbers = #tpu.dot_dimension_numbers<[1], [1], [0], [0], [0, 0, 1, 0], [], []>, transpose_lhs_hint = false} : vector<2048x256xbf16>, vector<1024x256xbf16>, vector<2048x1024xf32> -> vector<2048x1024xf32>
    %reduce_max3A_186 = arith.constant dense<0xFF800000> : vector<2048xf32>
    %reduce_max3A_187 = vector.multi_reduction <maximumf>, %dot_general3A_185, %reduce_max3A_186 [1] : vector<2048x1024xf32> to vector<2048xf32>
    %broadcast_in_dim3A_188 = vector.shape_cast %reduce_max3A_187 : vector<2048xf32> to vector<2048x1xf32>
    %ge3A_189 = vector.broadcast %broadcast_in_dim3A_188 : vector<2048x1xf32> to vector<2048x1024xf32>
    %ge3A_190 = arith.cmpf oge, %dot_general3A_185, %ge3A_189 : vector<2048x1024xf32>
    %jit3A_191 = arith.constant 1.000000e+09 : f32
    %broadcast_in_dim3A_192 = vector.broadcast %jit3A_191 : f32 to vector<2048x1024xf32>
    %select_n3A_193 = arith.select %ge3A_190, %convert_element_type3A_18, %broadcast_in_dim3A_192 : vector<2048x1024xi1>, vector<2048x1024xf32>
    %reduce_min3A_194 = arith.constant dense<0x7F800000> : vector<2048xf32>
    %reduce_min3A_195 = vector.multi_reduction <minimumf>, %select_n3A_193, %reduce_min3A_194 [1] : vector<2048x1024xf32> to vector<2048xf32>
    %broadcast_in_dim3A_196 = vector.shape_cast %reduce_min3A_195 : vector<2048xf32> to vector<2048x1xf32>
    %get3A_197 = arith.constant 0 : index
    %get3A_198 = arith.constant 0 : index
    %get3A_199 = vector.load %arg5[%get3A_197, %get3A_198] : memref<2048x1xf32, #tpu.memory_space<vmem>>, vector<2048x1xf32>
    %gt3A_200 = arith.cmpf ogt, %broadcast_in_dim3A_188, %get3A_199 : vector<2048x1xf32>
    %convert_element_type3A_201 = arith.fptosi %broadcast_in_dim3A_196 : vector<2048x1xf32> to vector<2048x1xi32>
    %mul3A_202 = arith.constant 1024 : i32
    %mul3A_203 = arith.muli %scan3A_178, %mul3A_202 : i32
    %add3A_204 = vector.broadcast %mul3A_203 : i32 to vector<2048x1xi32>
    %add3A_205 = arith.addi %convert_element_type3A_201, %add3A_204 : vector<2048x1xi32>
    %get3A_206 = arith.constant 0 : index
    %get3A_207 = arith.constant 0 : index
    %get3A_208 = vector.load %arg6[%get3A_206, %get3A_207] : memref<2048x1xi32, #tpu.memory_space<vmem>>, vector<2048x1xi32>
    %select_n3A_209 = arith.select %gt3A_200, %add3A_205, %get3A_208 : vector<2048x1xi1>, vector<2048x1xi32>
    %swap3A_210 = arith.constant 0 : index
    %swap3A_211 = arith.constant 0 : index
    %swap3A_212 = vector.load %arg6[%swap3A_210, %swap3A_211] : memref<2048x1xi32, #tpu.memory_space<vmem>>, vector<2048x1xi32>
    tpu.vector_store %arg6[%swap3A_210, %swap3A_211], %select_n3A_209 {strides = array<i32>} : memref<2048x1xi32, #tpu.memory_space<vmem>>, vector<2048x1xi32>,
    %get3A_213 = arith.constant 0 : index
    %get3A_214 = arith.constant 0 : index
    %get3A_215 = vector.load %arg5[%get3A_213, %get3A_214] : memref<2048x1xf32, #tpu.memory_space<vmem>>, vector<2048x1xf32>
    %select_n3A_216 = arith.select %gt3A_200, %broadcast_in_dim3A_188, %get3A_215 : vector<2048x1xi1>, vector<2048x1xf32>
    %swap3A_217 = arith.constant 0 : index
    %swap3A_218 = arith.constant 0 : index
    %swap3A_219 = vector.load %arg5[%swap3A_217, %swap3A_218] : memref<2048x1xf32, #tpu.memory_space<vmem>>, vector<2048x1xf32>
    tpu.vector_store %arg5[%swap3A_217, %swap3A_218], %select_n3A_216 {strides = array<i32>} : memref<2048x1xf32, #tpu.memory_space<vmem>>, vector<2048x1xf32>,
    %scan3A_220 = arith.constant 5 : i32
    %mul3A_221 = arith.constant 1024 : i32
    %mul3A_222 = arith.muli %scan3A_220, %mul3A_221 : i32
    %get3A_223 = arith.index_cast %mul3A_222 : i32 to index
    %get3A_224 = arith.constant 0 : index
    %get3A_225 = vector.load %arg4[%get3A_223, %get3A_224] : memref<8192x256xbf16, #tpu.memory_space<vmem>>, vector<1024x256xbf16>
    %dot_general3A_226 = arith.constant dense<0.000000e+00> : vector<2048x1024xf32>
    %dot_general3A_227 = tpu.matmul %convert_element_type3A_8, %get3A_225, %dot_general3A_226 {dimension_numbers = #tpu.dot_dimension_numbers<[1], [1], [0], [0], [0, 0, 1, 0], [], []>, transpose_lhs_hint = false} : vector<2048x256xbf16>, vector<1024x256xbf16>, vector<2048x1024xf32> -> vector<2048x1024xf32>
    %reduce_max3A_228 = arith.constant dense<0xFF800000> : vector<2048xf32>
    %reduce_max3A_229 = vector.multi_reduction <maximumf>, %dot_general3A_227, %reduce_max3A_228 [1] : vector<2048x1024xf32> to vector<2048xf32>
    %broadcast_in_dim3A_230 = vector.shape_cast %reduce_max3A_229 : vector<2048xf32> to vector<2048x1xf32>
    %ge3A_231 = vector.broadcast %broadcast_in_dim3A_230 : vector<2048x1xf32> to vector<2048x1024xf32>
    %ge3A_232 = arith.cmpf oge, %dot_general3A_227, %ge3A_231 : vector<2048x1024xf32>
    %jit3A_233 = arith.constant 1.000000e+09 : f32
    %broadcast_in_dim3A_234 = vector.broadcast %jit3A_233 : f32 to vector<2048x1024xf32>
    %select_n3A_235 = arith.select %ge3A_232, %convert_element_type3A_18, %broadcast_in_dim3A_234 : vector<2048x1024xi1>, vector<2048x1024xf32>
    %reduce_min3A_236 = arith.constant dense<0x7F800000> : vector<2048xf32>
    %reduce_min3A_237 = vector.multi_reduction <minimumf>, %select_n3A_235, %reduce_min3A_236 [1] : vector<2048x1024xf32> to vector<2048xf32>
    %broadcast_in_dim3A_238 = vector.shape_cast %reduce_min3A_237 : vector<2048xf32> to vector<2048x1xf32>
    %get3A_239 = arith.constant 0 : index
    %get3A_240 = arith.constant 0 : index
    %get3A_241 = vector.load %arg5[%get3A_239, %get3A_240] : memref<2048x1xf32, #tpu.memory_space<vmem>>, vector<2048x1xf32>
    %gt3A_242 = arith.cmpf ogt, %broadcast_in_dim3A_230, %get3A_241 : vector<2048x1xf32>
    %convert_element_type3A_243 = arith.fptosi %broadcast_in_dim3A_238 : vector<2048x1xf32> to vector<2048x1xi32>
    %mul3A_244 = arith.constant 1024 : i32
    %mul3A_245 = arith.muli %scan3A_220, %mul3A_244 : i32
    %add3A_246 = vector.broadcast %mul3A_245 : i32 to vector<2048x1xi32>
    %add3A_247 = arith.addi %convert_element_type3A_243, %add3A_246 : vector<2048x1xi32>
    %get3A_248 = arith.constant 0 : index
    %get3A_249 = arith.constant 0 : index
    %get3A_250 = vector.load %arg6[%get3A_248, %get3A_249] : memref<2048x1xi32, #tpu.memory_space<vmem>>, vector<2048x1xi32>
    %select_n3A_251 = arith.select %gt3A_242, %add3A_247, %get3A_250 : vector<2048x1xi1>, vector<2048x1xi32>
    %swap3A_252 = arith.constant 0 : index
    %swap3A_253 = arith.constant 0 : index
    %swap3A_254 = vector.load %arg6[%swap3A_252, %swap3A_253] : memref<2048x1xi32, #tpu.memory_space<vmem>>, vector<2048x1xi32>
    tpu.vector_store %arg6[%swap3A_252, %swap3A_253], %select_n3A_251 {strides = array<i32>} : memref<2048x1xi32, #tpu.memory_space<vmem>>, vector<2048x1xi32>,
    %get3A_255 = arith.constant 0 : index
    %get3A_256 = arith.constant 0 : index
    %get3A_257 = vector.load %arg5[%get3A_255, %get3A_256] : memref<2048x1xf32, #tpu.memory_space<vmem>>, vector<2048x1xf32>
    %select_n3A_258 = arith.select %gt3A_242, %broadcast_in_dim3A_230, %get3A_257 : vector<2048x1xi1>, vector<2048x1xf32>
    %swap3A_259 = arith.constant 0 : index
    %swap3A_260 = arith.constant 0 : index
    %swap3A_261 = vector.load %arg5[%swap3A_259, %swap3A_260] : memref<2048x1xf32, #tpu.memory_space<vmem>>, vector<2048x1xf32>
    tpu.vector_store %arg5[%swap3A_259, %swap3A_260], %select_n3A_258 {strides = array<i32>} : memref<2048x1xf32, #tpu.memory_space<vmem>>, vector<2048x1xf32>,
    %scan3A_262 = arith.constant 6 : i32
    %mul3A_263 = arith.constant 1024 : i32
    %mul3A_264 = arith.muli %scan3A_262, %mul3A_263 : i32
    %get3A_265 = arith.index_cast %mul3A_264 : i32 to index
    %get3A_266 = arith.constant 0 : index
    %get3A_267 = vector.load %arg4[%get3A_265, %get3A_266] : memref<8192x256xbf16, #tpu.memory_space<vmem>>, vector<1024x256xbf16>
    %dot_general3A_268 = arith.constant dense<0.000000e+00> : vector<2048x1024xf32>
    %dot_general3A_269 = tpu.matmul %convert_element_type3A_8, %get3A_267, %dot_general3A_268 {dimension_numbers = #tpu.dot_dimension_numbers<[1], [1], [0], [0], [0, 0, 1, 0], [], []>, transpose_lhs_hint = false} : vector<2048x256xbf16>, vector<1024x256xbf16>, vector<2048x1024xf32> -> vector<2048x1024xf32>
    %reduce_max3A_270 = arith.constant dense<0xFF800000> : vector<2048xf32>
    %reduce_max3A_271 = vector.multi_reduction <maximumf>, %dot_general3A_269, %reduce_max3A_270 [1] : vector<2048x1024xf32> to vector<2048xf32>
    %broadcast_in_dim3A_272 = vector.shape_cast %reduce_max3A_271 : vector<2048xf32> to vector<2048x1xf32>
    %ge3A_273 = vector.broadcast %broadcast_in_dim3A_272 : vector<2048x1xf32> to vector<2048x1024xf32>
    %ge3A_274 = arith.cmpf oge, %dot_general3A_269, %ge3A_273 : vector<2048x1024xf32>
    %jit3A_275 = arith.constant 1.000000e+09 : f32
    %broadcast_in_dim3A_276 = vector.broadcast %jit3A_275 : f32 to vector<2048x1024xf32>
    %select_n3A_277 = arith.select %ge3A_274, %convert_element_type3A_18, %broadcast_in_dim3A_276 : vector<2048x1024xi1>, vector<2048x1024xf32>
    %reduce_min3A_278 = arith.constant dense<0x7F800000> : vector<2048xf32>
    %reduce_min3A_279 = vector.multi_reduction <minimumf>, %select_n3A_277, %reduce_min3A_278 [1] : vector<2048x1024xf32> to vector<2048xf32>
    %broadcast_in_dim3A_280 = vector.shape_cast %reduce_min3A_279 : vector<2048xf32> to vector<2048x1xf32>
    %get3A_281 = arith.constant 0 : index
    %get3A_282 = arith.constant 0 : index
    %get3A_283 = vector.load %arg5[%get3A_281, %get3A_282] : memref<2048x1xf32, #tpu.memory_space<vmem>>, vector<2048x1xf32>
    %gt3A_284 = arith.cmpf ogt, %broadcast_in_dim3A_272, %get3A_283 : vector<2048x1xf32>
    %convert_element_type3A_285 = arith.fptosi %broadcast_in_dim3A_280 : vector<2048x1xf32> to vector<2048x1xi32>
    %mul3A_286 = arith.constant 1024 : i32
    %mul3A_287 = arith.muli %scan3A_262, %mul3A_286 : i32
    %add3A_288 = vector.broadcast %mul3A_287 : i32 to vector<2048x1xi32>
    %add3A_289 = arith.addi %convert_element_type3A_285, %add3A_288 : vector<2048x1xi32>
    %get3A_290 = arith.constant 0 : index
    %get3A_291 = arith.constant 0 : index
    %get3A_292 = vector.load %arg6[%get3A_290, %get3A_291] : memref<2048x1xi32, #tpu.memory_space<vmem>>, vector<2048x1xi32>
    %select_n3A_293 = arith.select %gt3A_284, %add3A_289, %get3A_292 : vector<2048x1xi1>, vector<2048x1xi32>
    %swap3A_294 = arith.constant 0 : index
    %swap3A_295 = arith.constant 0 : index
    %swap3A_296 = vector.load %arg6[%swap3A_294, %swap3A_295] : memref<2048x1xi32, #tpu.memory_space<vmem>>, vector<2048x1xi32>
    tpu.vector_store %arg6[%swap3A_294, %swap3A_295], %select_n3A_293 {strides = array<i32>} : memref<2048x1xi32, #tpu.memory_space<vmem>>, vector<2048x1xi32>,
    %get3A_297 = arith.constant 0 : index
    %get3A_298 = arith.constant 0 : index
    %get3A_299 = vector.load %arg5[%get3A_297, %get3A_298] : memref<2048x1xf32, #tpu.memory_space<vmem>>, vector<2048x1xf32>
    %select_n3A_300 = arith.select %gt3A_284, %broadcast_in_dim3A_272, %get3A_299 : vector<2048x1xi1>, vector<2048x1xf32>
    %swap3A_301 = arith.constant 0 : index
    %swap3A_302 = arith.constant 0 : index
    %swap3A_303 = vector.load %arg5[%swap3A_301, %swap3A_302] : memref<2048x1xf32, #tpu.memory_space<vmem>>, vector<2048x1xf32>
    tpu.vector_store %arg5[%swap3A_301, %swap3A_302], %select_n3A_300 {strides = array<i32>} : memref<2048x1xf32, #tpu.memory_space<vmem>>, vector<2048x1xf32>,
    %scan3A_304 = arith.constant 7 : i32
    %mul3A_305 = arith.constant 1024 : i32
    %mul3A_306 = arith.muli %scan3A_304, %mul3A_305 : i32
    %get3A_307 = arith.index_cast %mul3A_306 : i32 to index
    %get3A_308 = arith.constant 0 : index
    %get3A_309 = vector.load %arg4[%get3A_307, %get3A_308] : memref<8192x256xbf16, #tpu.memory_space<vmem>>, vector<1024x256xbf16>
    %dot_general3A_310 = arith.constant dense<0.000000e+00> : vector<2048x1024xf32>
    %dot_general3A_311 = tpu.matmul %convert_element_type3A_8, %get3A_309, %dot_general3A_310 {dimension_numbers = #tpu.dot_dimension_numbers<[1], [1], [0], [0], [0, 0, 1, 0], [], []>, transpose_lhs_hint = false} : vector<2048x256xbf16>, vector<1024x256xbf16>, vector<2048x1024xf32> -> vector<2048x1024xf32>
    %reduce_max3A_312 = arith.constant dense<0xFF800000> : vector<2048xf32>
    %reduce_max3A_313 = vector.multi_reduction <maximumf>, %dot_general3A_311, %reduce_max3A_312 [1] : vector<2048x1024xf32> to vector<2048xf32>
    %broadcast_in_dim3A_314 = vector.shape_cast %reduce_max3A_313 : vector<2048xf32> to vector<2048x1xf32>
    %ge3A_315 = vector.broadcast %broadcast_in_dim3A_314 : vector<2048x1xf32> to vector<2048x1024xf32>
    %ge3A_316 = arith.cmpf oge, %dot_general3A_311, %ge3A_315 : vector<2048x1024xf32>
    %jit3A_317 = arith.constant 1.000000e+09 : f32
    %broadcast_in_dim3A_318 = vector.broadcast %jit3A_317 : f32 to vector<2048x1024xf32>
    %select_n3A_319 = arith.select %ge3A_316, %convert_element_type3A_18, %broadcast_in_dim3A_318 : vector<2048x1024xi1>, vector<2048x1024xf32>
    %reduce_min3A_320 = arith.constant dense<0x7F800000> : vector<2048xf32>
    %reduce_min3A_321 = vector.multi_reduction <minimumf>, %select_n3A_319, %reduce_min3A_320 [1] : vector<2048x1024xf32> to vector<2048xf32>
    %broadcast_in_dim3A_322 = vector.shape_cast %reduce_min3A_321 : vector<2048xf32> to vector<2048x1xf32>
    %get3A_323 = arith.constant 0 : index
    %get3A_324 = arith.constant 0 : index
    %get3A_325 = vector.load %arg5[%get3A_323, %get3A_324] : memref<2048x1xf32, #tpu.memory_space<vmem>>, vector<2048x1xf32>
    %gt3A_326 = arith.cmpf ogt, %broadcast_in_dim3A_314, %get3A_325 : vector<2048x1xf32>
    %convert_element_type3A_327 = arith.fptosi %broadcast_in_dim3A_322 : vector<2048x1xf32> to vector<2048x1xi32>
    %mul3A_328 = arith.constant 1024 : i32
    %mul3A_329 = arith.muli %scan3A_304, %mul3A_328 : i32
    %add3A_330 = vector.broadcast %mul3A_329 : i32 to vector<2048x1xi32>
    %add3A_331 = arith.addi %convert_element_type3A_327, %add3A_330 : vector<2048x1xi32>
    %get3A_332 = arith.constant 0 : index
    %get3A_333 = arith.constant 0 : index
    %get3A_334 = vector.load %arg6[%get3A_332, %get3A_333] : memref<2048x1xi32, #tpu.memory_space<vmem>>, vector<2048x1xi32>
    %select_n3A_335 = arith.select %gt3A_326, %add3A_331, %get3A_334 : vector<2048x1xi1>, vector<2048x1xi32>
    %swap3A_336 = arith.constant 0 : index
    %swap3A_337 = arith.constant 0 : index
    %swap3A_338 = vector.load %arg6[%swap3A_336, %swap3A_337] : memref<2048x1xi32, #tpu.memory_space<vmem>>, vector<2048x1xi32>
    tpu.vector_store %arg6[%swap3A_336, %swap3A_337], %select_n3A_335 {strides = array<i32>} : memref<2048x1xi32, #tpu.memory_space<vmem>>, vector<2048x1xi32>,
    %get3A_339 = arith.constant 0 : index
    %get3A_340 = arith.constant 0 : index
    %get3A_341 = vector.load %arg5[%get3A_339, %get3A_340] : memref<2048x1xf32, #tpu.memory_space<vmem>>, vector<2048x1xf32>
    %select_n3A_342 = arith.select %gt3A_326, %broadcast_in_dim3A_314, %get3A_341 : vector<2048x1xi1>, vector<2048x1xf32>
    %swap3A_343 = arith.constant 0 : index
    %swap3A_344 = arith.constant 0 : index
    %swap3A_345 = vector.load %arg5[%swap3A_343, %swap3A_344] : memref<2048x1xf32, #tpu.memory_space<vmem>>, vector<2048x1xf32>
    tpu.vector_store %arg5[%swap3A_343, %swap3A_344], %select_n3A_342 {strides = array<i32>} : memref<2048x1xf32, #tpu.memory_space<vmem>>, vector<2048x1xf32>,
    %scan3A_346 = arith.constant 8 : i32
    %get3A_347 = arith.constant 0 : index
    %get3A_348 = arith.constant 0 : index
    %get3A_349 = vector.load %arg6[%get3A_347, %get3A_348] : memref<2048x1xi32, #tpu.memory_space<vmem>>, vector<2048x1xi32>
    %swap3A_350 = arith.constant 0 : index
    %swap3A_351 = arith.constant 0 : index
    %swap3A_352 = arith.constant 0 : index
    %swap3A_353 = vector.load %arg3[%swap3A_350, %swap3A_351, %swap3A_352] : memref<1x2048x1xi32, #tpu.memory_space<vmem>>, vector<1x2048x1xi32>
    %swap3A_354 = vector.shape_cast %swap3A_353 : vector<1x2048x1xi32> to vector<2048x1xi32>
    %swap3A_355 = vector.shape_cast %get3A_349 : vector<2048x1xi32> to vector<1x2048x1xi32>
    tpu.vector_store %arg3[%swap3A_350, %swap3A_351, %swap3A_352], %swap3A_355 {strides = array<i32>} : memref<1x2048x1xi32, #tpu.memory_space<vmem>>, vector<1x2048x1xi32>,
    return
  }
  func.func @transform_0(%arg0: i32) -> (i32, i32) {
    %c0_i32 = arith.constant 0 : i32
    %c0_i32_0 = arith.constant 0 : i32
    return %arg0, %c0_i32 : i32, i32
  }
  func.func @transform_1(%arg0: i32) -> (i32, i32) {
    %c0_i32 = arith.constant 0 : i32
    %c0_i32_0 = arith.constant 0 : i32
    %c0_i32_1 = arith.constant 0 : i32
    return %c0_i32, %c0_i32_0 : i32, i32
  }
  func.func @transform_2(%arg0: i32) -> (i32, i32, i32) {
    %c0_i32 = arith.constant 0 : i32
    %c0_i32_0 = arith.constant 0 : i32
    %c0_i32_1 = arith.constant 0 : i32
    return %arg0, %c0_i32, %c0_i32_0 : i32, i32, i32
  }
}

</mosaic_0001>

<sc_bundles>
// kernel: kernel.6.cloned.1.call-start
scs
__scs_entry_jumppad:
0x0: {  	(pc) =	sbr.rel $0x88, $3  }
0x1: {  	(tag) =	ssettag $0x0;
	lr =	simm.s32 $0x1  }
0x2: {  	[smem:$0x3F9F] =	sst lr;
	_ =	strace $0xD0000000  }
0x3: {  	_ = 	snop  }
0x4: {  	_ = 	snop  }
0x5: {  	_ = 	snop  }
0x6: {  	_ = 	snop  }
0x7: {  	_ = 	snop  }
__scs_overlays_trampoline_lowered:
0x8: {  	[smem:$0x3FAE] =	sst s0  }
0x9: {  	[smem:$0x3FAF] =	sst s1  }
0xa: {  	[smem:$0x3FB0] =	sst s2  }
0xb: {  	[smem:$0x3FB1] =	sst s3  }
0xc: {  	[smem:$0x3FB2] =	sst s4  }
0xd: {  	[smem:$0x3FB3] =	sst s5  }
0xe: {  	[smem:$0x3FB4] =	sst s6  }
0xf: {  	[smem:$0x3FB5] =	sst s7  }
0x10: {  	[smem:$0x3FB6] =	sst s8  }
0x11: {  	[smem:$0x3FB7] =	sst s9;
	s0 =	simm.s32 @!p0 $0x0  }
0x12: {  	s1 =	sld [smem:$0x3F9D];
	s0 =	simm.s32 @p0 $0x1  }
0x13: {  	[smem:$0x3FB8] =	sst s0;
	s0 =	simm.s32 @!p1 $0x0  }
0x14: {  	s2 =	sld [smem:$0x3F9C];
	s0 =	simm.s32 @p1 $0x1  }
0x15: {  	[smem:$0x3FB9] =	sst s0;
	s0 =	simm.s32 @!p2 $0x0  }
0x16: {  	s3 =	sld [smem:$0x3FDB];
	s0 =	simm.s32 @p2 $0x1  }
0x17: {  	s4 =	simm.s32 $0x1BF5;
	[smem:$0x3FBB] =	sst s0  }
0x18: {  	s0 =	sld [smem:$0x3F9E];
	_ =	swait.ge [sflag:s4], $0x0  }
0x19: {  	s7 =	sld [smem:$0x3F9F]  }
0x1a: {  	s8 =	sadd.s32 $0xFFFFE003, lr  }
0x1b: {  	s9 =	sadd.s32 $0xFFFFFEF7, lr;
	s5 =	simm.s32 $0xFFFFFFFF;
	p2 =	slt.u32 s8, $0xFFFFF086  }
0x1c: {  	p1 =	slt.u32 s9, $0xF7A;
	s5 =	simm.s32 @!p2 $0x0  }
0x1d: {  	s5 =	simm.s32 @p1 $0x1;
	p0 =	seq.s32 s7, s2  }
0x1e: {  	s7 =	smul.u32 @!p0 $0xF7A, s2;
	p2 =	seq.s32 @!p0 s5, $0x0  }
0x1f: {  	s9 =	smul.u32 $0xF7A, s1;
	s8 =	simm.s32 @!p0 $0x1BF5;
	p2 =	por !p2, p0  }
0x20: {  	[sflag:s8] =	ssyncset.s32 @!p0 $0xFFFFF086;
	s6 =	sadd.s32 @!p0 s3, s7;
	s7 =	simm.s32 @!p0 $0x108  }
0x21: {  	s3 =	sadd.s32 s3, s9;
	s6 =	sadd.s32 @!p0 $0x88, s6;
	s7 =	simm.s32 @p2 $0x1082  }
0x22: {  	[simem:s7], [sflag:s8] =	dma.local @!p0 [hbm:s6], $0xF7A  }
0x23: {  	s9 =	sor.u32 $0xD0000000, s2;
	s6 =	simm.s32 $0x108;
	_ =	swait.ge @!p0 [sflag:s8], $0x0  }
0x24: {  	s3 =	sadd.s32 $0x88, s3;
	s6 =	simm.s32 @!p1 $0x1082;
	[sflag:s4] =	ssyncset.s32 $0xFFFFF086  }
0x25: {  	[simem:s6], [sflag:s4] =	dma.local [hbm:s3], $0xF7A  }
0x26: {  	[smem:$0x3F9F] =	sst s1;
	(tag) =	ssettag s2;
	_ =	strace s9  }
0x27: {  	s1 =	sld [smem:$0x3FAF]  }
0x28: {  	s2 =	sld [smem:$0x3FB0]  }
0x29: {  	s4 =	sld [smem:$0x3FB2]  }
0x2a: {  	p0 =	seq.s32 s5, $0x0;
	s5 =	sld [smem:$0x3FB3]  }
0x2b: {  	s6 =	sld [smem:$0x3FB4]  }
0x2c: {  	s7 =	sld [smem:$0x3FB5]  }
0x2d: {  	s3 =	simm.s32 $0x108;
	s8 =	sld [smem:$0x3FB6]  }
0x2e: {  	s3 =	simm.s32 @!p0 $0x1082;
	s9 =	sld [smem:$0x3FB7]  }
0x2f: {  	lr =	sadd.s32 s0, s3;
	s0 =	sld [smem:$0x3FAE]  }
0x30: {  	s3 =	sld [smem:$0x3FB1]  }
0x31: {  	[smem:$0x3FBA] =	sst s10  }
0x32: {  	s10 =	sld [smem:$0x3FB8];
	_ =	sdelay $0x3  }
0x33: {  	p0 =	seq.s32 s10, $0x1;
	s10 =	sld [smem:$0x3FBA];
	_ =	sdelay $0x3  }
0x34: {  	[smem:$0x3FBA] =	sst s10  }
0x35: {  	s10 =	sld [smem:$0x3FB9];
	_ =	sdelay $0x3  }
0x36: {  	p1 =	seq.s32 s10, $0x1;
	s10 =	sld [smem:$0x3FBA];
	_ =	sdelay $0x3  }
0x37: {  	[smem:$0x3FBA] =	sst s10  }
0x38: {  	s10 =	sld [smem:$0x3FBB]  }
0x39: {  	_ = 	snop;
	(pc) =	sbr.ind lr, $3  }
0x3a: {  	_ = 	snop  }
0x3b: {  	_ = 	snop  }
0x3c: {  	p2 =	seq.s32 s10, $0x1;
	s10 =	sld [smem:$0x3FBA]  }
0x3d: {  	_ =	shalt  }
0x3e: {  	_ =	shalt  }
0x3f: {  	_ =	shalt  }
0x40: {  	_ =	shalt  }
0x41: {  	_ =	shalt  }
0x42: {  	_ =	shalt  }
0x43: {  	_ =	shalt  }
0x44: {  	_ =	shalt  }
0x45: {  	_ =	shalt  }
0x46: {  	_ =	shalt  }
0x47: {  	_ =	shalt  }
0x48: {  	_ =	shalt  }
0x49: {  	_ =	shalt  }
0x4a: {  	_ =	shalt  }
0x4b: {  	_ =	shalt  }
0x4c: {  	_ =	shalt  }
0x4d: {  	_ =	shalt  }
0x4e: {  	_ =	shalt  }
0x4f: {  	_ =	shalt  }
0x50: {  	_ =	shalt  }
0x51: {  	_ =	shalt  }
0x52: {  	_ =	shalt  }
0x53: {  	_ =	shalt  }
0x54: {  	_ =	shalt  }
0x55: {  	_ =	shalt  }
0x56: {  	_ =	shalt  }
0x57: {  	_ =	shalt  }
0x58: {  	_ =	shalt  }
0x59: {  	_ =	shalt  }
0x5a: {  	_ =	shalt  }
0x5b: {  	_ =	shalt  }
0x5c: {  	_ =	shalt  }
0x5d: {  	_ =	shalt  }
0x5e: {  	_ =	shalt  }
0x5f: {  	_ =	shalt  }
0x60: {  	_ =	shalt  }
0x61: {  	_ =	shalt  }
0x62: {  	_ =	shalt  }
0x63: {  	_ =	shalt  }
0x64: {  	_ =	shalt  }
0x65: {  	_ =	shalt  }
0x66: {  	_ =	shalt  }
0x67: {  	_ =	shalt  }
0x68: {  	_ =	shalt  }
0x69: {  	_ =	shalt  }
0x6a: {  	_ =	shalt  }
0x6b: {  	_ =	shalt  }
0x6c: {  	_ =	shalt  }
0x6d: {  	_ =	shalt  }
0x6e: {  	_ =	shalt  }
0x6f: {  	_ =	shalt  }
0x70: {  	_ =	shalt  }
0x71: {  	_ =	shalt  }
0x72: {  	_ =	shalt  }
0x73: {  	_ =	shalt  }
0x74: {  	_ =	shalt  }
0x75: {  	_ =	shalt  }
0x76: {  	_ =	shalt  }
0x77: {  	_ =	shalt  }
0x78: {  	_ =	shalt  }
0x79: {  	_ =	shalt  }
0x7a: {  	_ =	shalt  }
0x7b: {  	_ =	shalt  }
0x7c: {  	_ =	shalt  }
0x7d: {  	_ =	shalt  }
0x7e: {  	_ =	shalt  }
0x7f: {  	_ =	shalt  }
0x80: {  	_ =	shalt  }
0x81: {  	_ =	shalt  }
0x82: {  	_ =	shalt  }
0x83: {  	_ =	shalt  }
0x84: {  	_ =	shalt  }
0x85: {  	_ =	shalt  }
0x86: {  	_ =	shalt  }
0x87: {  	_ =	shalt  }
.Lfunc_end0:
.L_simem_size_0:
called_computation_lowered:
.L_overlay_start_0:
0x88: {  	s2 =	sld [smem:$0x3FD9]  }
0x89: {  	s3 =	sld [smem:$0x3FFE];
	_ =	sdelay $0x1  }
0x8a: {  	s1 =	srdreg.scid  }
0x8b: {  	s0 =	sand.u32 $0x1, s1  }
0x8c: {  	s17 =	sshll.u32 s0, $0xA;
	s2 =	sadd.s32 s3, s2  }
0x8d: {  	s2 =	sadd.s32 s2, s17  }
0x8e: {  	[smem:$0x3FC6] =	sst s2  }
0x8f: {  	_ = 	snop  }
0x90: {  	s2 =	sld [smem:$0x3FC8];
	(tm) =	ssettm $0x1  }
0x91: {  	s18 =	sld [smem:$0x3FFB];
	_ =	sdelay $0x3  }
0x92: {  	_ =	strace s18  }
0x93: {  	s3 =	sld [smem:$0x3FFC];
	_ =	sdelay $0x3  }
0x94: {  	_ =	strace s3  }
0x95: {  	s3 =	sld [smem:$0x3FFD];
	_ =	sdelay $0x3  }
0x96: {  	_ =	strace s3  }
0x97: {  	_ =	strace $0x8FFFFFFF  }
0x98: {  	s19 =	sld [smem:$0x3FDB];
	_ =	sdelay $0x1  }
0x99: {  	s4 =	simm.s32 $_scs_section_size  }
0x9a: {  	s5 =	simm.s32 $_size__tile_overlayer_lowered;
	s6 =	simm.s32 $_tile_overlayer_lowered  }
0x9b: {  	s22 =	simm.s32 $0x1BFF;
	s21 =	sshll.u32 s6, $0x1;
	s3 =	sadd.s32 s4, s19  }
0x9c: {  	s7 =	simm.s32 $0x0;
	s20 =	sshll.u32 s5, $0x1;
	s5 =	sadd.s32 s21, s3  }
0x9d: {  	[timem:s7], [sflag:s22] =	dma.local [hbm:s5], s20  }
0x9e: {  	_ =	swait.ge [sflag:s22], s20  }
0x9f: {  	s4 =	ssub.s32 $0x0, s20;
	[sflag:s22] =	ssyncset.done $0x0  }
0xa0: {  	[sflag:s22] =	ssyncadd.s32 s4;
	_ =	sdelay $0x1  }
0xa1: {  	s23 =	simm.s32 $0x1B8B  }
0xa2: {  	_ =	swait.ge [sflag:s23], $0x1  }
0xa3: {  	[sflag:s23] =	ssyncset.done $0x0  }
0xa4: {  	s25 =	simm.s32 $0x1B8E;
	s24 =	sld [smem:$0x3FFE];
	[sflag:s23] =	ssyncadd.s32 $0xFFFFFFFF  }
0xa5: {  	s26 =	simm.s32 $execute0_lowered;
	[smem:$0x3FD2] =	sst s25  }
0xa6: {  	s5 =	sshll.u32 s26, $0x1;
	_ =	strace $0x80000046;
	[dreg:$0x1] =	wrdreg $0xFFFFFFFF  }
0xa7: {  	s28 =	simm.s32 $_size_execute0_lowered;
	s3 =	sadd.s32 s3, s5;
	[dreg:$0x0] =	wrdreg $0x0  }
0xa8: {  	s5 =	sshll.u32 s28, $0x1;
	[dreg:$0x2] =	wrdreg s3  }
0xa9: {  	[dreg:$0x3] =	wrdreg s5  }
0xaa: {  	[dreg:$0x4] =	wrdreg $0xC0  }
0xab: {  	_ =	task [dreg:s7], $0x5FFFF  }
0xac: {  	[dreg:$0x1] =	wrdreg $0xFFFFFFFF  }
0xad: {  	[dreg:$0x0] =	wrdreg $0x60  }
0xae: {  	[dreg:$0x2] =	wrdreg s2  }
0xaf: {  	[dreg:$0x3] =	wrdreg s24  }
0xb0: {  	[dreg:$0x4] =	wrdreg $0x9  }
0xb1: {  	_ =	task.clear_ibuf [dreg:s7], $0x5FFFF;
	_ =	strace $0x90000046  }
0xb2: {  	s29 =	simm.s32 $0x9;
	_ =	strace $0x80000048  }
0xb3: {  	_ =	swait.ge [sflag:s29], $0x1  }
0xb4: {  	[sflag:s29] =	ssyncadd.s32 $0xFFFFFFFF  }
0xb5: {  	_ =	strace $0x90000048  }
0xb6: {  	_ =	sfence  }
0xb7: {  	s30 =	sld [smem:$0x0];
	_ =	sdelay $0x2  }
0xb8: {  	s31 =	sshll.u32 s1, $0xD;
	s1 =	sshrl.u32 s1, $0x2  }
0xb9: {  	s3 =	sand.u32 $0x4000, s31;
	s1 =	sadd.s32 s1, s30  }
0xba: {  	s0 =	sor.u32 s3, s0;
	s1 =	sshll.u32 s1, $0x11  }
0xbb: {  	s0 =	sor.u32 s1, s0  }
0xbc: {  	s0 =	sadd.s32 $0x8F2B, s0  }
0xbd: {  	[sflag:s0] =	ssyncadd.remote.s32 $0x1  }
0xbe: {  	_ =	sfence.sel $0xFFFF  }
0xbf: {  	[dreg:$0x0] =	wrdreg $0xFFFFFFFF;
	(pc) =	sbr.abs _section_cstart, $3  }
0xc0: {  	[dreg:$0x1] =	wrdreg $0xFFFFFFFF  }
0xc1: {  	_ =	task.clear_ibuf [dreg:s7], $0x2FFFF;
	_ =	strace $0x9FFFFFFF  }
0xc2: {  	(tm) =	ssettm $0x7FFFFFFF  }
0xc3: {  	_ =	shalt  }
tec
execute0_lowered:
.L_overlay_start_1:
0x0: {  	(tag) =	ssettag $0x1  }
0x1: {  	s1 =	rddreg [dreg:$0x0]  }
0x2: {  	s0 =	srdreg.scid;
	s2 =	rddreg [dreg:$0x1]  }
0x3: {  	s3 =	simm.s32 $0x0;
	s7 =	stileid.u32;
	s13 =	simm.s32 $0x2  }
0x4: {  	s15 =	simm.s32 $0xA00;
	s16 =	simm.s32 $0x1200;
	s17 =	simm.s32 $0x1A00  }
0x5: {  	s18 =	simm.s32 $0x2200;
	s19 =	simm.s32 $0x2A00;
	s20 =	simm.s32 $0x3200  }
0x6: {  	s21 =	simm.s32 $0x3A00;
	s28 =	simm.s32 $0x6200;
	s29 =	simm.s32 $0x6A00  }
0x7: {  	s30 =	simm.s32 $0x7200;
	s31 =	simm.s32 $0x7A00;
	s22 =	simm.s32 $0x8A00  }
0x8: {  	s8 =	simm.s32 $0xA200;
	s9 =	simm.s32 $0xAA00;
	s10 =	simm.s32 $0xB200  }
0x9: {  	s11 =	simm.s32 $0xBA00;
	s0 =	sand.u32 $0x1, s0;
	s5 =	sshll.u32 s7, $0xF  }
0xa: {  	s7 =	sshll.u32 s7, $0x7;
	[smem:$0x7FF] =	sst s3;
	s4 =	sshll.u32 s0, $0x6  }
0xb: {  	s6 =	sshll.u32 s0, $0xE;
	_ =	strace $0x80000047;
	s4 =	sadd.s32 s4, s2  }
0xc: {  	s0 =	ssub.s32 $0x2, s0;
	s5 =	sor.u32 s6, s5;
	s4 =	sadd.s32 s7, s4  }
0xd: {  	s26 =	sshrl.u32 s0, $0x1;
	s2 =	sadd.s32 s5, s2;
	s4 =	sadd.s32 $0x800, s4  }
0xe: {  	s0 =	ssub.s32 s0, s26;
	s23 =	sadd.s32 $0x1000, s2;
	[dreg:$0x3] =	wrdreg s4  }
0xf: {  	s5 =	simm.s32 $0x3;
	s24 =	sadd.s32 $0x2000, s2;
	[dreg:$0x4] =	wrdreg s23  }
0x10: {  	s26 =	simm.s32 $0x5A00;
	s25 =	sadd.s32 $0x3000, s2;
	[dreg:$0x5] =	wrdreg s24  }
0x11: {  	v2 =	vlaneseq.u32;
	s7 =	simm.s32 $0x9A00;
	s2 =	sadd.s32 $0x4000, s2;
	[dreg:$0x6] =	wrdreg s25  }
0x12: {  	vm0 =	vmmov $0xffff;
	v1 =	vshrl.u32 v2, $0x3;
	[dreg:$0x7] =	wrdreg s2;
	s4 =	smax.u32 s0, $0x1;
	s2 =	simm.s32 $0x1  }
0x13: {  	v0 =	vand.u32 $0x7, v2;
	v2 =	vor.u32 $0x8, v2;
	v1 =	vmul.u32 $0x8, v1;
	s23 =	simm.s32 $0x4200;
	s24 =	simm.s32 $0x4A00;
	s25 =	simm.s32 $0x5200  }
.LBB2_1:
0x14: {  	s14 =	rddreg [dreg:$0x3]  }
0x15: {  	[tilespmem:s3], [sflag:$0x3] =	stream.linear.gather [hbm4b:s14+s3], $0x200, $0x38;
	[tilespmem:$0x10200] =	vst v63  }
0x16: {  	_ =	swait.ge [sflag:s5], $0x200  }
0x17: {  	[sflag:s5] =	ssyncset.done $0x0  }
0x18: {  	[sflag:s5] =	ssyncadd.s32 $0xFFFFFE00  }
0x19: {  	v3 =	vld [tilespmem:$0x0];
	_ =	sdelay $0x4  }
0x1a: {  	v4 =	vshll.u32 v3, $0x1  }
0x1b: {  	v3 =	vand.u32 $0x7, v3;
	v4 =	vand.u32 $0xFFFFFFF0, v4  }
0x1c: {  	v3 =	vor.u32 v3, v4  }
0x1d: {  	v4 =	vperm.xlane v3, v0;
	_ =	sdelay $0x1  }
0x1e: {  	v3 =	vperm.xlane v3, v2;
	v4 =	vadd.s32 v1, v4;
	_ =	sdelay $0x1  }
0x1f: {  	v3 =	vadd.s32 v1, v3;
	_ =	sdelay $0x1  }
0x20: {  	s0 =	simm.s32 $0x200  }
0x21: {  	[tilespmem:s0], [sflag:$0x1] =	stream.indirect_vreg.gather [hbm4b:s1+s3], $0x80, v4, vm0, $0xb8;
	[tilespmem:$0x10200] =	vst v63  }
0x22: {  	_ = 	snop  }
0x23: {  	[tilespmem:s15], [sflag:$0x1] =	stream.indirect_vreg.gather [hbm4b:s1+s3], $0x80, v3, vm0, $0xb8;
	[tilespmem:$0x10200] =	vst v63  }
0x24: {  	v3 =	vld [tilespmem:$0x10];
	_ =	sdelay $0x4  }
0x25: {  	v33 =	vshll.u32 v3, $0x1  }
0x26: {  	v3 =	vand.u32 $0x7, v3;
	v4 =	vand.u32 $0xFFFFFFF0, v33  }
0x27: {  	v3 =	vor.u32 v3, v4  }
0x28: {  	v4 =	vperm.xlane v3, v0;
	_ =	sdelay $0x1  }
0x29: {  	v3 =	vperm.xlane v3, v2;
	v4 =	vadd.s32 v1, v4;
	_ =	sdelay $0x1  }
0x2a: {  	v3 =	vadd.s32 v1, v3;
	_ =	sdelay $0x2  }
0x2b: {  	[tilespmem:s16], [sflag:$0x1] =	stream.indirect_vreg.gather [hbm4b:s1+s3], $0x80, v4, vm0, $0xb8;
	[tilespmem:$0x10200] =	vst v63  }
0x2c: {  	_ = 	snop  }
0x2d: {  	[tilespmem:s17], [sflag:$0x1] =	stream.indirect_vreg.gather [hbm4b:s1+s3], $0x80, v3, vm0, $0xb8;
	[tilespmem:$0x10200] =	vst v63  }
0x2e: {  	v3 =	vld [tilespmem:$0x20];
	_ =	sdelay $0x4  }
0x2f: {  	v34 =	vshll.u32 v3, $0x1  }
0x30: {  	v3 =	vand.u32 $0x7, v3;
	v4 =	vand.u32 $0xFFFFFFF0, v34  }
0x31: {  	v3 =	vor.u32 v3, v4  }
0x32: {  	v4 =	vperm.xlane v3, v0;
	_ =	sdelay $0x1  }
0x33: {  	v3 =	vperm.xlane v3, v2;
	v4 =	vadd.s32 v1, v4;
	_ =	sdelay $0x1  }
0x34: {  	v3 =	vadd.s32 v1, v3;
	_ =	sdelay $0x2  }
0x35: {  	[tilespmem:s18], [sflag:$0x1] =	stream.indirect_vreg.gather [hbm4b:s1+s3], $0x80, v4, vm0, $0xb8;
	[tilespmem:$0x10200] =	vst v63  }
0x36: {  	_ = 	snop  }
0x37: {  	[tilespmem:s19], [sflag:$0x1] =	stream.indirect_vreg.gather [hbm4b:s1+s3], $0x80, v3, vm0, $0xb8;
	[tilespmem:$0x10200] =	vst v63  }
0x38: {  	v3 =	vld [tilespmem:$0x30];
	_ =	sdelay $0x4  }
0x39: {  	v35 =	vshll.u32 v3, $0x1  }
0x3a: {  	v3 =	vand.u32 $0x7, v3;
	v4 =	vand.u32 $0xFFFFFFF0, v35  }
0x3b: {  	v3 =	vor.u32 v3, v4  }
0x3c: {  	v4 =	vperm.xlane v3, v0;
	_ =	sdelay $0x1  }
0x3d: {  	v3 =	vperm.xlane v3, v2;
	v4 =	vadd.s32 v1, v4;
	_ =	sdelay $0x1  }
0x3e: {  	v3 =	vadd.s32 v1, v3;
	_ =	sdelay $0x2  }
0x3f: {  	[tilespmem:s20], [sflag:$0x1] =	stream.indirect_vreg.gather [hbm4b:s1+s3], $0x80, v4, vm0, $0xb8;
	[tilespmem:$0x10200] =	vst v63  }
0x40: {  	_ = 	snop  }
0x41: {  	[tilespmem:s21], [sflag:$0x1] =	stream.indirect_vreg.gather [hbm4b:s1+s3], $0x80, v3, vm0, $0xb8;
	[tilespmem:$0x10200] =	vst v63  }
0x42: {  	v3 =	vld [tilespmem:$0x40];
	_ =	sdelay $0x4  }
0x43: {  	v36 =	vshll.u32 v3, $0x1  }
0x44: {  	v3 =	vand.u32 $0x7, v3;
	v4 =	vand.u32 $0xFFFFFFF0, v36  }
0x45: {  	v3 =	vor.u32 v3, v4  }
0x46: {  	v4 =	vperm.xlane v3, v0;
	_ =	sdelay $0x1  }
0x47: {  	v3 =	vperm.xlane v3, v2;
	v4 =	vadd.s32 v1, v4;
	_ =	sdelay $0x1  }
0x48: {  	v3 =	vadd.s32 v1, v3;
	_ =	sdelay $0x2  }
0x49: {  	[tilespmem:s23], [sflag:$0x1] =	stream.indirect_vreg.gather [hbm4b:s1+s3], $0x80, v4, vm0, $0xb8;
	[tilespmem:$0x10200] =	vst v63  }
0x4a: {  	_ = 	snop  }
0x4b: {  	[tilespmem:s24], [sflag:$0x1] =	stream.indirect_vreg.gather [hbm4b:s1+s3], $0x80, v3, vm0, $0xb8;
	[tilespmem:$0x10200] =	vst v63  }
0x4c: {  	v3 =	vld [tilespmem:$0x50];
	_ =	sdelay $0x4  }
0x4d: {  	v37 =	vshll.u32 v3, $0x1  }
0x4e: {  	v3 =	vand.u32 $0x7, v3;
	v4 =	vand.u32 $0xFFFFFFF0, v37  }
0x4f: {  	v3 =	vor.u32 v3, v4  }
0x50: {  	v4 =	vperm.xlane v3, v0;
	_ =	sdelay $0x1  }
0x51: {  	v3 =	vperm.xlane v3, v2;
	v4 =	vadd.s32 v1, v4;
	_ =	sdelay $0x1  }
0x52: {  	v3 =	vadd.s32 v1, v3;
	_ =	sdelay $0x2  }
0x53: {  	[tilespmem:s25], [sflag:$0x1] =	stream.indirect_vreg.gather [hbm4b:s1+s3], $0x80, v4, vm0, $0xb8;
	[tilespmem:$0x10200] =	vst v63  }
0x54: {  	_ = 	snop  }
0x55: {  	[tilespmem:s26], [sflag:$0x1] =	stream.indirect_vreg.gather [hbm4b:s1+s3], $0x80, v3, vm0, $0xb8;
	[tilespmem:$0x10200] =	vst v63  }
0x56: {  	v3 =	vld [tilespmem:$0x60];
	_ =	sdelay $0x4  }
0x57: {  	v38 =	vshll.u32 v3, $0x1  }
0x58: {  	v3 =	vand.u32 $0x7, v3;
	v4 =	vand.u32 $0xFFFFFFF0, v38  }
0x59: {  	v3 =	vor.u32 v3, v4  }
0x5a: {  	v4 =	vperm.xlane v3, v0;
	_ =	sdelay $0x1  }
0x5b: {  	v3 =	vperm.xlane v3, v2;
	v4 =	vadd.s32 v1, v4;
	_ =	sdelay $0x1  }
0x5c: {  	v3 =	vadd.s32 v1, v3;
	_ =	sdelay $0x2  }
0x5d: {  	[tilespmem:s28], [sflag:$0x1] =	stream.indirect_vreg.gather [hbm4b:s1+s3], $0x80, v4, vm0, $0xb8;
	[tilespmem:$0x10200] =	vst v63  }
0x5e: {  	_ = 	snop  }
0x5f: {  	[tilespmem:s29], [sflag:$0x1] =	stream.indirect_vreg.gather [hbm4b:s1+s3], $0x80, v3, vm0, $0xb8;
	[tilespmem:$0x10200] =	vst v63  }
0x60: {  	v3 =	vld [tilespmem:$0x70];
	_ =	sdelay $0x4  }
0x61: {  	v39 =	vshll.u32 v3, $0x1  }
0x62: {  	v3 =	vand.u32 $0x7, v3;
	v4 =	vand.u32 $0xFFFFFFF0, v39  }
0x63: {  	v3 =	vor.u32 v3, v4  }
0x64: {  	v4 =	vperm.xlane v3, v0;
	_ =	sdelay $0x1  }
0x65: {  	v3 =	vperm.xlane v3, v2;
	v4 =	vadd.s32 v1, v4;
	_ =	sdelay $0x1  }
0x66: {  	v3 =	vadd.s32 v1, v3;
	_ =	sdelay $0x2  }
0x67: {  	[tilespmem:s30], [sflag:$0x1] =	stream.indirect_vreg.gather [hbm4b:s1+s3], $0x80, v4, vm0, $0xb8;
	[tilespmem:$0x10200] =	vst v63  }
0x68: {  	_ = 	snop  }
0x69: {  	[tilespmem:s31], [sflag:$0x1] =	stream.indirect_vreg.gather [hbm4b:s1+s3], $0x80, v3, vm0, $0xb8;
	[tilespmem:$0x10200] =	vst v63  }
0x6a: {  	v3 =	vld [tilespmem:$0x80];
	_ =	sdelay $0x4  }
0x6b: {  	v40 =	vshll.u32 v3, $0x1  }
0x6c: {  	v3 =	vand.u32 $0x7, v3;
	v4 =	vand.u32 $0xFFFFFFF0, v40  }
0x6d: {  	v3 =	vor.u32 v3, v4  }
0x6e: {  	v4 =	vperm.xlane v3, v0;
	_ =	sdelay $0x1  }
0x6f: {  	v3 =	vperm.xlane v3, v2;
	v4 =	vadd.s32 v1, v4;
	_ =	sdelay $0x1  }
0x70: {  	v3 =	vadd.s32 v1, v3;
	_ =	sdelay $0x1  }
0x71: {  	s0 =	simm.s32 $0x8200  }
0x72: {  	[tilespmem:s0], [sflag:$0x2] =	stream.indirect_vreg.gather [hbm4b:s1+s3], $0x80, v4, vm0, $0xb8;
	[tilespmem:$0x10200] =	vst v63  }
0x73: {  	_ = 	snop  }
0x74: {  	[tilespmem:s22], [sflag:$0x2] =	stream.indirect_vreg.gather [hbm4b:s1+s3], $0x80, v3, vm0, $0xb8;
	[tilespmem:$0x10200] =	vst v63  }
0x75: {  	v3 =	vld [tilespmem:$0x90];
	_ =	sdelay $0x4  }
0x76: {  	v41 =	vshll.u32 v3, $0x1  }
0x77: {  	v3 =	vand.u32 $0x7, v3;
	v4 =	vand.u32 $0xFFFFFFF0, v41  }
0x78: {  	v3 =	vor.u32 v3, v4  }
0x79: {  	v4 =	vperm.xlane v3, v0;
	_ =	sdelay $0x1  }
0x7a: {  	v3 =	vperm.xlane v3, v2;
	v4 =	vadd.s32 v1, v4;
	_ =	sdelay $0x1  }
0x7b: {  	v3 =	vadd.s32 v1, v3;
	_ =	sdelay $0x1  }
0x7c: {  	s6 =	simm.s32 $0x9200  }
0x7d: {  	[tilespmem:s6], [sflag:$0x2] =	stream.indirect_vreg.gather [hbm4b:s1+s3], $0x80, v4, vm0, $0xb8;
	[tilespmem:$0x10200] =	vst v63  }
0x7e: {  	_ = 	snop  }
0x7f: {  	[tilespmem:s7], [sflag:$0x2] =	stream.indirect_vreg.gather [hbm4b:s1+s3], $0x80, v3, vm0, $0xb8;
	[tilespmem:$0x10200] =	vst v63  }
0x80: {  	v3 =	vld [tilespmem:$0xA0];
	_ =	sdelay $0x4  }
0x81: {  	v42 =	vshll.u32 v3, $0x1  }
0x82: {  	v3 =	vand.u32 $0x7, v3;
	v4 =	vand.u32 $0xFFFFFFF0, v42  }
0x83: {  	v3 =	vor.u32 v3, v4  }
0x84: {  	v4 =	vperm.xlane v3, v0;
	_ =	sdelay $0x1  }
0x85: {  	v3 =	vperm.xlane v3, v2;
	v4 =	vadd.s32 v1, v4;
	_ =	sdelay $0x1  }
0x86: {  	v3 =	vadd.s32 v1, v3;
	_ =	sdelay $0x2  }
0x87: {  	[tilespmem:s8], [sflag:$0x2] =	stream.indirect_vreg.gather [hbm4b:s1+s3], $0x80, v4, vm0, $0xb8;
	[tilespmem:$0x10200] =	vst v63  }
0x88: {  	_ = 	snop  }
0x89: {  	[tilespmem:s9], [sflag:$0x2] =	stream.indirect_vreg.gather [hbm4b:s1+s3], $0x80, v3, vm0, $0xb8;
	[tilespmem:$0x10200] =	vst v63  }
0x8a: {  	v3 =	vld [tilespmem:$0xB0];
	_ =	sdelay $0x4  }
0x8b: {  	v43 =	vshll.u32 v3, $0x1  }
0x8c: {  	v3 =	vand.u32 $0x7, v3;
	v4 =	vand.u32 $0xFFFFFFF0, v43  }
0x8d: {  	v3 =	vor.u32 v3, v4  }
0x8e: {  	v4 =	vperm.xlane v3, v0;
	_ =	sdelay $0x1  }
0x8f: {  	v3 =	vperm.xlane v3, v2;
	v4 =	vadd.s32 v1, v4;
	_ =	sdelay $0x1  }
0x90: {  	v3 =	vadd.s32 v1, v3;
	_ =	sdelay $0x2  }
0x91: {  	[tilespmem:s10], [sflag:$0x2] =	stream.indirect_vreg.gather [hbm4b:s1+s3], $0x80, v4, vm0, $0xb8;
	[tilespmem:$0x10200] =	vst v63  }
0x92: {  	_ = 	snop  }
0x93: {  	[tilespmem:s11], [sflag:$0x2] =	stream.indirect_vreg.gather [hbm4b:s1+s3], $0x80, v3, vm0, $0xb8;
	[tilespmem:$0x10200] =	vst v63  }
0x94: {  	v3 =	vld [tilespmem:$0xC0];
	_ =	sdelay $0x4  }
0x95: {  	v44 =	vshll.u32 v3, $0x1  }
0x96: {  	v3 =	vand.u32 $0x7, v3;
	v4 =	vand.u32 $0xFFFFFFF0, v44  }
0x97: {  	v3 =	vor.u32 v3, v4  }
0x98: {  	v4 =	vperm.xlane v3, v0;
	_ =	sdelay $0x1  }
0x99: {  	v3 =	vperm.xlane v3, v2;
	v4 =	vadd.s32 v1, v4;
	_ =	sdelay $0x1  }
0x9a: {  	v3 =	vadd.s32 v1, v3;
	_ =	sdelay $0x1  }
0x9b: {  	s6 =	simm.s32 $0xC200  }
0x9c: {  	[tilespmem:s6], [sflag:$0x2] =	stream.indirect_vreg.gather [hbm4b:s1+s3], $0x80, v4, vm0, $0xb8;
	[tilespmem:$0x10200] =	vst v63  }
0x9d: {  	s12 =	simm.s32 $0xCA00  }
0x9e: {  	[tilespmem:s12], [sflag:$0x2] =	stream.indirect_vreg.gather [hbm4b:s1+s3], $0x80, v3, vm0, $0xb8;
	[tilespmem:$0x10200] =	vst v63  }
0x9f: {  	v3 =	vld [tilespmem:$0xD0];
	_ =	sdelay $0x4  }
0xa0: {  	v45 =	vshll.u32 v3, $0x1  }
0xa1: {  	v3 =	vand.u32 $0x7, v3;
	v4 =	vand.u32 $0xFFFFFFF0, v45  }
0xa2: {  	v3 =	vor.u32 v3, v4  }
0xa3: {  	v4 =	vperm.xlane v3, v0;
	_ =	sdelay $0x1  }
0xa4: {  	v3 =	vperm.xlane v3, v2;
	v4 =	vadd.s32 v1, v4;
	_ =	sdelay $0x1  }
0xa5: {  	v3 =	vadd.s32 v1, v3;
	_ =	sdelay $0x1  }
0xa6: {  	s14 =	simm.s32 $0xD200  }
0xa7: {  	[tilespmem:s14], [sflag:$0x2] =	stream.indirect_vreg.gather [hbm4b:s1+s3], $0x80, v4, vm0, $0xb8;
	[tilespmem:$0x10200] =	vst v63  }
0xa8: {  	s14 =	simm.s32 $0xDA00  }
0xa9: {  	[tilespmem:s14], [sflag:$0x2] =	stream.indirect_vreg.gather [hbm4b:s1+s3], $0x80, v3, vm0, $0xb8;
	[tilespmem:$0x10200] =	vst v63  }
0xaa: {  	v3 =	vld [tilespmem:$0xE0];
	_ =	sdelay $0x4  }
0xab: {  	v46 =	vshll.u32 v3, $0x1  }
0xac: {  	v3 =	vand.u32 $0x7, v3;
	v4 =	vand.u32 $0xFFFFFFF0, v46  }
0xad: {  	v3 =	vor.u32 v3, v4  }
0xae: {  	v4 =	vperm.xlane v3, v0;
	_ =	sdelay $0x1  }
0xaf: {  	v3 =	vperm.xlane v3, v2;
	v4 =	vadd.s32 v1, v4;
	_ =	sdelay $0x1  }
0xb0: {  	v3 =	vadd.s32 v1, v3;
	_ =	sdelay $0x1  }
0xb1: {  	s14 =	simm.s32 $0xE200  }
0xb2: {  	[tilespmem:s14], [sflag:$0x2] =	stream.indirect_vreg.gather [hbm4b:s1+s3], $0x80, v4, vm0, $0xb8;
	[tilespmem:$0x10200] =	vst v63  }
0xb3: {  	s14 =	simm.s32 $0xEA00  }
0xb4: {  	[tilespmem:s14], [sflag:$0x2] =	stream.indirect_vreg.gather [hbm4b:s1+s3], $0x80, v3, vm0, $0xb8;
	[tilespmem:$0x10200] =	vst v63  }
0xb5: {  	v3 =	vld [tilespmem:$0xF0];
	_ =	sdelay $0x4  }
0xb6: {  	v47 =	vshll.u32 v3, $0x1  }
0xb7: {  	v3 =	vand.u32 $0x7, v3;
	v4 =	vand.u32 $0xFFFFFFF0, v47  }
0xb8: {  	v3 =	vor.u32 v3, v4  }
0xb9: {  	v4 =	vperm.xlane v3, v0;
	_ =	sdelay $0x1  }
0xba: {  	v3 =	vperm.xlane v3, v2;
	v4 =	vadd.s32 v1, v4;
	_ =	sdelay $0x1  }
0xbb: {  	v3 =	vadd.s32 v1, v3;
	_ =	sdelay $0x1  }
0xbc: {  	s14 =	simm.s32 $0xF200  }
0xbd: {  	[tilespmem:s14], [sflag:$0x2] =	stream.indirect_vreg.gather [hbm4b:s1+s3], $0x80, v4, vm0, $0xb8;
	[tilespmem:$0x10200] =	vst v63  }
0xbe: {  	s14 =	simm.s32 $0xFA00  }
0xbf: {  	[tilespmem:s14], [sflag:$0x2] =	stream.indirect_vreg.gather [hbm4b:s1+s3], $0x80, v3, vm0, $0xb8;
	[tilespmem:$0x10200] =	vst v63  }
0xc0: {  	_ =	swait.ge [sflag:s2], $0x8000  }
0xc1: {  	[sflag:s2] =	ssyncset.done $0x0  }
0xc2: {  	s12 =	simm.s32 $0x200;
	s14 =	rddreg [dreg:$0x4];
	[sflag:s2] =	ssyncadd.s32 $0xFFFF8000  }
0xc3: {  	[hbm4b:s14+s3] =	stream.linear.scatter [tilespmem:s12], [sflag:$0x3], $0x8000, $0x38;
	[tilespmem:$0x10200] =	vst v63  }
0xc4: {  	_ =	swait.ge [sflag:s5], $0x8000  }
0xc5: {  	[sflag:s5] =	ssyncset.done $0x0  }
0xc6: {  	[sflag:s5] =	ssyncadd.s32 $0xFFFF8000  }
0xc7: {  	v3 =	vld [tilespmem:$0x100];
	_ =	sdelay $0x4  }
0xc8: {  	v48 =	vshll.u32 v3, $0x1  }
0xc9: {  	v3 =	vand.u32 $0x7, v3;
	v4 =	vand.u32 $0xFFFFFFF0, v48  }
0xca: {  	v3 =	vor.u32 v3, v4  }
0xcb: {  	v4 =	vperm.xlane v3, v0;
	_ =	sdelay $0x1  }
0xcc: {  	v3 =	vperm.xlane v3, v2;
	v4 =	vadd.s32 v1, v4;
	_ =	sdelay $0x1  }
0xcd: {  	v3 =	vadd.s32 v1, v3;
	_ =	sdelay $0x2  }
0xce: {  	[tilespmem:s12], [sflag:$0x1] =	stream.indirect_vreg.gather [hbm4b:s1+s3], $0x80, v4, vm0, $0xb8;
	[tilespmem:$0x10200] =	vst v63  }
0xcf: {  	_ = 	snop  }
0xd0: {  	[tilespmem:s15], [sflag:$0x1] =	stream.indirect_vreg.gather [hbm4b:s1+s3], $0x80, v3, vm0, $0xb8;
	[tilespmem:$0x10200] =	vst v63  }
0xd1: {  	v3 =	vld [tilespmem:$0x110];
	_ =	sdelay $0x4  }
0xd2: {  	v49 =	vshll.u32 v3, $0x1  }
0xd3: {  	v3 =	vand.u32 $0x7, v3;
	v4 =	vand.u32 $0xFFFFFFF0, v49  }
0xd4: {  	v3 =	vor.u32 v3, v4  }
0xd5: {  	v4 =	vperm.xlane v3, v0;
	_ =	sdelay $0x1  }
0xd6: {  	v3 =	vperm.xlane v3, v2;
	v4 =	vadd.s32 v1, v4;
	_ =	sdelay $0x1  }
0xd7: {  	v3 =	vadd.s32 v1, v3;
	_ =	sdelay $0x2  }
0xd8: {  	[tilespmem:s16], [sflag:$0x1] =	stream.indirect_vreg.gather [hbm4b:s1+s3], $0x80, v4, vm0, $0xb8;
	[tilespmem:$0x10200] =	vst v63  }
0xd9: {  	_ = 	snop  }
0xda: {  	[tilespmem:s17], [sflag:$0x1] =	stream.indirect_vreg.gather [hbm4b:s1+s3], $0x80, v3, vm0, $0xb8;
	[tilespmem:$0x10200] =	vst v63  }
0xdb: {  	v3 =	vld [tilespmem:$0x120];
	_ =	sdelay $0x4  }
0xdc: {  	v50 =	vshll.u32 v3, $0x1  }
0xdd: {  	v3 =	vand.u32 $0x7, v3;
	v4 =	vand.u32 $0xFFFFFFF0, v50  }
0xde: {  	v3 =	vor.u32 v3, v4  }
0xdf: {  	v4 =	vperm.xlane v3, v0;
	_ =	sdelay $0x1  }
0xe0: {  	v3 =	vperm.xlane v3, v2;
	v4 =	vadd.s32 v1, v4;
	_ =	sdelay $0x1  }
0xe1: {  	v3 =	vadd.s32 v1, v3;
	_ =	sdelay $0x2  }
0xe2: {  	[tilespmem:s18], [sflag:$0x1] =	stream.indirect_vreg.gather [hbm4b:s1+s3], $0x80, v4, vm0, $0xb8;
	[tilespmem:$0x10200] =	vst v63  }
0xe3: {  	_ = 	snop  }
0xe4: {  	[tilespmem:s19], [sflag:$0x1] =	stream.indirect_vreg.gather [hbm4b:s1+s3], $0x80, v3, vm0, $0xb8;
	[tilespmem:$0x10200] =	vst v63  }
0xe5: {  	v3 =	vld [tilespmem:$0x130];
	_ =	sdelay $0x4  }
0xe6: {  	v51 =	vshll.u32 v3, $0x1  }
0xe7: {  	v3 =	vand.u32 $0x7, v3;
	v4 =	vand.u32 $0xFFFFFFF0, v51  }
0xe8: {  	v3 =	vor.u32 v3, v4  }
0xe9: {  	v4 =	vperm.xlane v3, v0;
	_ =	sdelay $0x1  }
0xea: {  	v3 =	vperm.xlane v3, v2;
	v4 =	vadd.s32 v1, v4;
	_ =	sdelay $0x1  }
0xeb: {  	v3 =	vadd.s32 v1, v3;
	_ =	sdelay $0x2  }
0xec: {  	[tilespmem:s20], [sflag:$0x1] =	stream.indirect_vreg.gather [hbm4b:s1+s3], $0x80, v4, vm0, $0xb8;
	[tilespmem:$0x10200] =	vst v63  }
0xed: {  	_ = 	snop  }
0xee: {  	[tilespmem:s21], [sflag:$0x1] =	stream.indirect_vreg.gather [hbm4b:s1+s3], $0x80, v3, vm0, $0xb8;
	[tilespmem:$0x10200] =	vst v63  }
0xef: {  	v3 =	vld [tilespmem:$0x140];
	_ =	sdelay $0x4  }
0xf0: {  	v52 =	vshll.u32 v3, $0x1  }
0xf1: {  	v3 =	vand.u32 $0x7, v3;
	v4 =	vand.u32 $0xFFFFFFF0, v52  }
0xf2: {  	v3 =	vor.u32 v3, v4  }
0xf3: {  	v4 =	vperm.xlane v3, v0;
	_ =	sdelay $0x1  }
0xf4: {  	v3 =	vperm.xlane v3, v2;
	v4 =	vadd.s32 v1, v4;
	_ =	sdelay $0x1  }
0xf5: {  	v3 =	vadd.s32 v1, v3;
	_ =	sdelay $0x2  }
0xf6: {  	[tilespmem:s23], [sflag:$0x1] =	stream.indirect_vreg.gather [hbm4b:s1+s3], $0x80, v4, vm0, $0xb8;
	[tilespmem:$0x10200] =	vst v63  }
0xf7: {  	_ = 	snop  }
0xf8: {  	[tilespmem:s24], [sflag:$0x1] =	stream.indirect_vreg.gather [hbm4b:s1+s3], $0x80, v3, vm0, $0xb8;
	[tilespmem:$0x10200] =	vst v63  }
0xf9: {  	v3 =	vld [tilespmem:$0x150];
	_ =	sdelay $0x4  }
0xfa: {  	v53 =	vshll.u32 v3, $0x1  }
0xfb: {  	v3 =	vand.u32 $0x7, v3;
	v4 =	vand.u32 $0xFFFFFFF0, v53  }
0xfc: {  	v3 =	vor.u32 v3, v4  }
0xfd: {  	v4 =	vperm.xlane v3, v0;
	_ =	sdelay $0x1  }
0xfe: {  	v3 =	vperm.xlane v3, v2;
	v4 =	vadd.s32 v1, v4;
	_ =	sdelay $0x1  }
0xff: {  	v3 =	vadd.s32 v1, v3;
	_ =	sdelay $0x2  }
0x100: {  	[tilespmem:s25], [sflag:$0x1] =	stream.indirect_vreg.gather [hbm4b:s1+s3], $0x80, v4, vm0, $0xb8;
	[tilespmem:$0x10200] =	vst v63  }
0x101: {  	_ = 	snop  }
0x102: {  	[tilespmem:s26], [sflag:$0x1] =	stream.indirect_vreg.gather [hbm4b:s1+s3], $0x80, v3, vm0, $0xb8;
	[tilespmem:$0x10200] =	vst v63  }
0x103: {  	v3 =	vld [tilespmem:$0x160];
	_ =	sdelay $0x4  }
0x104: {  	v54 =	vshll.u32 v3, $0x1  }
0x105: {  	v3 =	vand.u32 $0x7, v3;
	v4 =	vand.u32 $0xFFFFFFF0, v54  }
0x106: {  	v3 =	vor.u32 v3, v4  }
0x107: {  	v4 =	vperm.xlane v3, v0;
	_ =	sdelay $0x1  }
0x108: {  	v3 =	vperm.xlane v3, v2;
	v4 =	vadd.s32 v1, v4;
	_ =	sdelay $0x1  }
0x109: {  	v3 =	vadd.s32 v1, v3;
	_ =	sdelay $0x2  }
0x10a: {  	[tilespmem:s28], [sflag:$0x1] =	stream.indirect_vreg.gather [hbm4b:s1+s3], $0x80, v4, vm0, $0xb8;
	[tilespmem:$0x10200] =	vst v63  }
0x10b: {  	_ = 	snop  }
0x10c: {  	[tilespmem:s29], [sflag:$0x1] =	stream.indirect_vreg.gather [hbm4b:s1+s3], $0x80, v3, vm0, $0xb8;
	[tilespmem:$0x10200] =	vst v63  }
0x10d: {  	v3 =	vld [tilespmem:$0x170];
	_ =	sdelay $0x4  }
0x10e: {  	v55 =	vshll.u32 v3, $0x1  }
0x10f: {  	v3 =	vand.u32 $0x7, v3;
	v4 =	vand.u32 $0xFFFFFFF0, v55  }
0x110: {  	v3 =	vor.u32 v3, v4  }
0x111: {  	v4 =	vperm.xlane v3, v0;
	_ =	sdelay $0x1  }
0x112: {  	v3 =	vperm.xlane v3, v2;
	v4 =	vadd.s32 v1, v4;
	_ =	sdelay $0x1  }
0x113: {  	v3 =	vadd.s32 v1, v3;
	_ =	sdelay $0x2  }
0x114: {  	[tilespmem:s30], [sflag:$0x1] =	stream.indirect_vreg.gather [hbm4b:s1+s3], $0x80, v4, vm0, $0xb8;
	[tilespmem:$0x10200] =	vst v63  }
0x115: {  	_ = 	snop  }
0x116: {  	[tilespmem:s31], [sflag:$0x1] =	stream.indirect_vreg.gather [hbm4b:s1+s3], $0x80, v3, vm0, $0xb8;
	[tilespmem:$0x10200] =	vst v63  }
0x117: {  	_ =	swait.ge [sflag:s13], $0x8000  }
0x118: {  	[sflag:s13] =	ssyncset.done $0x0  }
0x119: {  	s12 =	rddreg [dreg:$0x5];
	[sflag:s13] =	ssyncadd.s32 $0xFFFF8000  }
0x11a: {  	[hbm4b:s12+s3] =	stream.linear.scatter [tilespmem:s0], [sflag:$0x3], $0x8000, $0x38;
	[tilespmem:$0x10200] =	vst v63  }
0x11b: {  	_ =	swait.ge [sflag:s5], $0x8000  }
0x11c: {  	[sflag:s5] =	ssyncset.done $0x0  }
0x11d: {  	[sflag:s5] =	ssyncadd.s32 $0xFFFF8000  }
0x11e: {  	v3 =	vld [tilespmem:$0x180];
	_ =	sdelay $0x4  }
0x11f: {  	v56 =	vshll.u32 v3, $0x1  }
0x120: {  	v3 =	vand.u32 $0x7, v3;
	v4 =	vand.u32 $0xFFFFFFF0, v56  }
0x121: {  	v3 =	vor.u32 v3, v4  }
0x122: {  	v4 =	vperm.xlane v3, v0;
	_ =	sdelay $0x1  }
0x123: {  	v3 =	vperm.xlane v3, v2;
	v4 =	vadd.s32 v1, v4;
	_ =	sdelay $0x1  }
0x124: {  	v3 =	vadd.s32 v1, v3;
	_ =	sdelay $0x2  }
0x125: {  	[tilespmem:s0], [sflag:$0x2] =	stream.indirect_vreg.gather [hbm4b:s1+s3], $0x80, v4, vm0, $0xb8;
	[tilespmem:$0x10200] =	vst v63  }
0x126: {  	_ = 	snop  }
0x127: {  	[tilespmem:s22], [sflag:$0x2] =	stream.indirect_vreg.gather [hbm4b:s1+s3], $0x80, v3, vm0, $0xb8;
	[tilespmem:$0x10200] =	vst v63  }
0x128: {  	v3 =	vld [tilespmem:$0x190];
	_ =	sdelay $0x4  }
0x129: {  	v57 =	vshll.u32 v3, $0x1  }
0x12a: {  	v3 =	vand.u32 $0x7, v3;
	v4 =	vand.u32 $0xFFFFFFF0, v57  }
0x12b: {  	v3 =	vor.u32 v3, v4  }
0x12c: {  	v4 =	vperm.xlane v3, v0;
	_ =	sdelay $0x1  }
0x12d: {  	v3 =	vperm.xlane v3, v2;
	v4 =	vadd.s32 v1, v4;
	_ =	sdelay $0x1  }
0x12e: {  	v3 =	vadd.s32 v1, v3;
	_ =	sdelay $0x1  }
0x12f: {  	s14 =	simm.s32 $0x9200  }
0x130: {  	[tilespmem:s14], [sflag:$0x2] =	stream.indirect_vreg.gather [hbm4b:s1+s3], $0x80, v4, vm0, $0xb8;
	[tilespmem:$0x10200] =	vst v63  }
0x131: {  	_ = 	snop  }
0x132: {  	[tilespmem:s7], [sflag:$0x2] =	stream.indirect_vreg.gather [hbm4b:s1+s3], $0x80, v3, vm0, $0xb8;
	[tilespmem:$0x10200] =	vst v63  }
0x133: {  	v3 =	vld [tilespmem:$0x1A0];
	_ =	sdelay $0x4  }
0x134: {  	v58 =	vshll.u32 v3, $0x1  }
0x135: {  	v3 =	vand.u32 $0x7, v3;
	v4 =	vand.u32 $0xFFFFFFF0, v58  }
0x136: {  	v3 =	vor.u32 v3, v4  }
0x137: {  	v4 =	vperm.xlane v3, v0;
	_ =	sdelay $0x1  }
0x138: {  	v3 =	vperm.xlane v3, v2;
	v4 =	vadd.s32 v1, v4;
	_ =	sdelay $0x1  }
0x139: {  	v3 =	vadd.s32 v1, v3;
	_ =	sdelay $0x2  }
0x13a: {  	[tilespmem:s8], [sflag:$0x2] =	stream.indirect_vreg.gather [hbm4b:s1+s3], $0x80, v4, vm0, $0xb8;
	[tilespmem:$0x10200] =	vst v63  }
0x13b: {  	_ = 	snop  }
0x13c: {  	[tilespmem:s9], [sflag:$0x2] =	stream.indirect_vreg.gather [hbm4b:s1+s3], $0x80, v3, vm0, $0xb8;
	[tilespmem:$0x10200] =	vst v63  }
0x13d: {  	v3 =	vld [tilespmem:$0x1B0];
	_ =	sdelay $0x4  }
0x13e: {  	v59 =	vshll.u32 v3, $0x1  }
0x13f: {  	v3 =	vand.u32 $0x7, v3;
	v4 =	vand.u32 $0xFFFFFFF0, v59  }
0x140: {  	v3 =	vor.u32 v3, v4  }
0x141: {  	v4 =	vperm.xlane v3, v0;
	_ =	sdelay $0x1  }
0x142: {  	v3 =	vperm.xlane v3, v2;
	v4 =	vadd.s32 v1, v4;
	_ =	sdelay $0x1  }
0x143: {  	v3 =	vadd.s32 v1, v3;
	_ =	sdelay $0x2  }
0x144: {  	[tilespmem:s10], [sflag:$0x2] =	stream.indirect_vreg.gather [hbm4b:s1+s3], $0x80, v4, vm0, $0xb8;
	[tilespmem:$0x10200] =	vst v63  }
0x145: {  	_ = 	snop  }
0x146: {  	[tilespmem:s11], [sflag:$0x2] =	stream.indirect_vreg.gather [hbm4b:s1+s3], $0x80, v3, vm0, $0xb8;
	[tilespmem:$0x10200] =	vst v63  }
0x147: {  	v3 =	vld [tilespmem:$0x1C0];
	_ =	sdelay $0x4  }
0x148: {  	v60 =	vshll.u32 v3, $0x1  }
0x149: {  	v3 =	vand.u32 $0x7, v3;
	v4 =	vand.u32 $0xFFFFFFF0, v60  }
0x14a: {  	v3 =	vor.u32 v3, v4  }
0x14b: {  	v4 =	vperm.xlane v3, v0;
	_ =	sdelay $0x1  }
0x14c: {  	v3 =	vperm.xlane v3, v2;
	v4 =	vadd.s32 v1, v4;
	_ =	sdelay $0x1  }
0x14d: {  	v3 =	vadd.s32 v1, v3;
	_ =	sdelay $0x2  }
0x14e: {  	[tilespmem:s6], [sflag:$0x2] =	stream.indirect_vreg.gather [hbm4b:s1+s3], $0x80, v4, vm0, $0xb8;
	[tilespmem:$0x10200] =	vst v63  }
0x14f: {  	s14 =	simm.s32 $0xCA00  }
0x150: {  	[tilespmem:s14], [sflag:$0x2] =	stream.indirect_vreg.gather [hbm4b:s1+s3], $0x80, v3, vm0, $0xb8;
	[tilespmem:$0x10200] =	vst v63  }
0x151: {  	v3 =	vld [tilespmem:$0x1D0];
	_ =	sdelay $0x4  }
0x152: {  	v61 =	vshll.u32 v3, $0x1  }
0x153: {  	v3 =	vand.u32 $0x7, v3;
	v4 =	vand.u32 $0xFFFFFFF0, v61  }
0x154: {  	v3 =	vor.u32 v3, v4  }
0x155: {  	v4 =	vperm.xlane v3, v0;
	_ =	sdelay $0x1  }
0x156: {  	v3 =	vperm.xlane v3, v2;
	v4 =	vadd.s32 v1, v4;
	_ =	sdelay $0x1  }
0x157: {  	v3 =	vadd.s32 v1, v3;
	_ =	sdelay $0x1  }
0x158: {  	s12 =	simm.s32 $0xD200  }
0x159: {  	[tilespmem:s12], [sflag:$0x2] =	stream.indirect_vreg.gather [hbm4b:s1+s3], $0x80, v4, vm0, $0xb8;
	[tilespmem:$0x10200] =	vst v63  }
0x15a: {  	s14 =	simm.s32 $0xDA00  }
0x15b: {  	[tilespmem:s14], [sflag:$0x2] =	stream.indirect_vreg.gather [hbm4b:s1+s3], $0x80, v3, vm0, $0xb8;
	[tilespmem:$0x10200] =	vst v63  }
0x15c: {  	v3 =	vld [tilespmem:$0x1E0];
	_ =	sdelay $0x4  }
0x15d: {  	v62 =	vshll.u32 v3, $0x1  }
0x15e: {  	v3 =	vand.u32 $0x7, v3;
	v4 =	vand.u32 $0xFFFFFFF0, v62  }
0x15f: {  	v3 =	vor.u32 v3, v4  }
0x160: {  	v4 =	vperm.xlane v3, v0;
	_ =	sdelay $0x1  }
0x161: {  	v3 =	vperm.xlane v3, v2;
	v4 =	vadd.s32 v1, v4;
	_ =	sdelay $0x1  }
0x162: {  	v3 =	vadd.s32 v1, v3;
	_ =	sdelay $0x1  }
0x163: {  	s12 =	simm.s32 $0xE200  }
0x164: {  	[tilespmem:s12], [sflag:$0x2] =	stream.indirect_vreg.gather [hbm4b:s1+s3], $0x80, v4, vm0, $0xb8;
	[tilespmem:$0x10200] =	vst v63  }
0x165: {  	s14 =	simm.s32 $0xEA00  }
0x166: {  	[tilespmem:s14], [sflag:$0x2] =	stream.indirect_vreg.gather [hbm4b:s1+s3], $0x80, v3, vm0, $0xb8;
	[tilespmem:$0x10200] =	vst v63  }
0x167: {  	v3 =	vld [tilespmem:$0x1F0];
	_ =	sdelay $0x4  }
0x168: {  	v63 =	vshll.u32 v3, $0x1  }
0x169: {  	v3 =	vand.u32 $0x7, v3;
	v4 =	vand.u32 $0xFFFFFFF0, v63  }
0x16a: {  	v3 =	vor.u32 v3, v4  }
0x16b: {  	v4 =	vperm.xlane v3, v0;
	_ =	sdelay $0x1  }
0x16c: {  	v3 =	vperm.xlane v3, v2;
	v4 =	vadd.s32 v1, v4;
	_ =	sdelay $0x1  }
0x16d: {  	v3 =	vadd.s32 v1, v3;
	_ =	sdelay $0x1  }
0x16e: {  	s12 =	simm.s32 $0xF200  }
0x16f: {  	[tilespmem:s12], [sflag:$0x2] =	stream.indirect_vreg.gather [hbm4b:s1+s3], $0x80, v4, vm0, $0xb8;
	[tilespmem:$0x10200] =	vst v63  }
0x170: {  	s14 =	simm.s32 $0xFA00  }
0x171: {  	[tilespmem:s14], [sflag:$0x2] =	stream.indirect_vreg.gather [hbm4b:s1+s3], $0x80, v3, vm0, $0xb8;
	[tilespmem:$0x10200] =	vst v63  }
0x172: {  	_ =	swait.ge [sflag:s2], $0x8000  }
0x173: {  	[sflag:s2] =	ssyncset.done $0x0  }
0x174: {  	s12 =	simm.s32 $0x200;
	s6 =	rddreg [dreg:$0x6];
	[sflag:s2] =	ssyncadd.s32 $0xFFFF8000  }
0x175: {  	[hbm4b:s6+s3] =	stream.linear.scatter [tilespmem:s12], [sflag:$0x3], $0x8000, $0x38;
	[tilespmem:$0x10200] =	vst v63  }
0x176: {  	_ =	swait.ge [sflag:s5], $0x8000  }
0x177: {  	[sflag:s5] =	ssyncset.done $0x0  }
0x178: {  	[sflag:s5] =	ssyncadd.s32 $0xFFFF8000  }
0x179: {  	_ =	swait.ge [sflag:s13], $0x8000  }
0x17a: {  	p0 =	sne.s32 s4, $0x1;
	[sflag:s13] =	ssyncset.done $0x0  }
.Ltmp0:
0x17b: {  	s12 =	rddreg [dreg:$0x7];
	[sflag:s13] =	ssyncadd.s32 $0xFFFF8000;
	(pc) =	sbr.rel @p0 .LBB2_1-.Ltmp0, $4  }
0x17c: {  	[hbm4b:s12+s3] =	stream.linear.scatter [tilespmem:s0], [sflag:$0x3], $0x8000, $0x38;
	[tilespmem:$0x10200] =	vst v63  }
0x17d: {  	_ =	swait.ge [sflag:s5], $0x8000  }
0x17e: {  	[sflag:s5] =	ssyncset.done $0x0  }
0x17f: {  	s4 =	sadd.s32 $0xFFFFFFFF, s4;
	[sflag:s5] =	ssyncadd.s32 $0xFFFF8000  }
0x180: {  	_ =	sfence.sel $0x180000  }
0x181: {  	[bflag:$0x0] =	sbarrier.arrive $0xFFFF  }
0x182: {  	_ =	strace $0x90000047  }
0x183: {  	s0 =	stileid.u32;
	[bflag:$0x2] =	sbarrier.arrive $0xFFFF  }
0x184: {  	p0 =	sne.s32 s0, $0x0;
	s0 =	rddreg [dreg:$0x2]  }
0x185: {  	s0 =	sadd.s32 @!p0 $0x100000, s0  }
0x186: {  	[sflag:s0] =	ssyncadd.tile.s32 @!p0 $0x1;
	_ =	shalt  }
.Lfunc_end2:
_tile_overlayer_lowered:
.L_overlay_start_2:
0x187: {  	(tag) =	ssettag $0x2  }
0x188: {  	s0 =	rddreg [dreg:$0x0];
	s2 =	stileid.u32  }
0x189: {  	s1 =	rddreg [dreg:$0x1];
	p0 =	sne.s32 s2, $0x0  }
0x18a: {  	s3 =	rddreg [dreg:$0x2];
	[bflag:$0x3] =	sbarrier.arrive $0xFFFF;
	s2 =	simm.s32 @!p0 $0x1C03  }
0x18b: {  	[timem:s3], [sflag:s2] =	dma.local @!p0 [hbm:s0], s1  }
0x18c: {  	s0 =	simm.s32 @!p0 $0x3  }
0x18d: {  	_ =	swait.ge @!p0 [sflag:s0], s1  }
0x18e: {  	s1 =	ssub.s32 @!p0 $0x0, s1;
	[sflag:s0] =	ssyncset.done @!p0 $0x0  }
0x18f: {  	[sflag:s0] =	ssyncadd.s32 @!p0 s1  }
0x190: {  	[bflag:$0x3] =	sbarrier.arrive $0xFFFF  }
0x191: {  	_ =	shalt  }

// kernel: kernel.9.cloned.1.call-start
scs
__scs_entry_jumppad:
0x0: {  	(pc) =	sbr.rel $0x88, $3  }
0x1: {  	(tag) =	ssettag $0x0;
	lr =	simm.s32 $0x1  }
0x2: {  	[smem:$0x3F9F] =	sst lr;
	_ =	strace $0xD0000000  }
0x3: {  	_ = 	snop  }
0x4: {  	_ = 	snop  }
0x5: {  	_ = 	snop  }
0x6: {  	_ = 	snop  }
0x7: {  	_ = 	snop  }
__scs_overlays_trampoline_lowered:
0x8: {  	[smem:$0x3FAE] =	sst s0  }
0x9: {  	[smem:$0x3FAF] =	sst s1  }
0xa: {  	[smem:$0x3FB0] =	sst s2  }
0xb: {  	[smem:$0x3FB1] =	sst s3  }
0xc: {  	[smem:$0x3FB2] =	sst s4  }
0xd: {  	[smem:$0x3FB3] =	sst s5  }
0xe: {  	[smem:$0x3FB4] =	sst s6  }
0xf: {  	[smem:$0x3FB5] =	sst s7  }
0x10: {  	[smem:$0x3FB6] =	sst s8  }
0x11: {  	[smem:$0x3FB7] =	sst s9;
	s0 =	simm.s32 @!p0 $0x0  }
0x12: {  	s1 =	sld [smem:$0x3F9D];
	s0 =	simm.s32 @p0 $0x1  }
0x13: {  	[smem:$0x3FB8] =	sst s0;
	s0 =	simm.s32 @!p1 $0x0  }
0x14: {  	s2 =	sld [smem:$0x3F9C];
	s0 =	simm.s32 @p1 $0x1  }
0x15: {  	[smem:$0x3FB9] =	sst s0;
	s0 =	simm.s32 @!p2 $0x0  }
0x16: {  	s3 =	sld [smem:$0x3FDB];
	s0 =	simm.s32 @p2 $0x1  }
0x17: {  	s4 =	simm.s32 $0x1BF5;
	[smem:$0x3FBB] =	sst s0  }
0x18: {  	s0 =	sld [smem:$0x3F9E];
	_ =	swait.ge [sflag:s4], $0x0  }
0x19: {  	s7 =	sld [smem:$0x3F9F]  }
0x1a: {  	s8 =	sadd.s32 $0xFFFFE003, lr  }
0x1b: {  	s9 =	sadd.s32 $0xFFFFFEF7, lr;
	s5 =	simm.s32 $0xFFFFFFFF;
	p2 =	slt.u32 s8, $0xFFFFF086  }
0x1c: {  	p1 =	slt.u32 s9, $0xF7A;
	s5 =	simm.s32 @!p2 $0x0  }
0x1d: {  	s5 =	simm.s32 @p1 $0x1;
	p0 =	seq.s32 s7, s2  }
0x1e: {  	s7 =	smul.u32 @!p0 $0xF7A, s2;
	p2 =	seq.s32 @!p0 s5, $0x0  }
0x1f: {  	s9 =	smul.u32 $0xF7A, s1;
	s8 =	simm.s32 @!p0 $0x1BF5;
	p2 =	por !p2, p0  }
0x20: {  	[sflag:s8] =	ssyncset.s32 @!p0 $0xFFFFF086;
	s6 =	sadd.s32 @!p0 s3, s7;
	s7 =	simm.s32 @!p0 $0x108  }
0x21: {  	s3 =	sadd.s32 s3, s9;
	s6 =	sadd.s32 @!p0 $0x88, s6;
	s7 =	simm.s32 @p2 $0x1082  }
0x22: {  	[simem:s7], [sflag:s8] =	dma.local @!p0 [hbm:s6], $0xF7A  }
0x23: {  	s9 =	sor.u32 $0xD0000000, s2;
	s6 =	simm.s32 $0x108;
	_ =	swait.ge @!p0 [sflag:s8], $0x0  }
0x24: {  	s3 =	sadd.s32 $0x88, s3;
	s6 =	simm.s32 @!p1 $0x1082;
	[sflag:s4] =	ssyncset.s32 $0xFFFFF086  }
0x25: {  	[simem:s6], [sflag:s4] =	dma.local [hbm:s3], $0xF7A  }
0x26: {  	[smem:$0x3F9F] =	sst s1;
	(tag) =	ssettag s2;
	_ =	strace s9  }
0x27: {  	s1 =	sld [smem:$0x3FAF]  }
0x28: {  	s2 =	sld [smem:$0x3FB0]  }
0x29: {  	s4 =	sld [smem:$0x3FB2]  }
0x2a: {  	p0 =	seq.s32 s5, $0x0;
	s5 =	sld [smem:$0x3FB3]  }
0x2b: {  	s6 =	sld [smem:$0x3FB4]  }
0x2c: {  	s7 =	sld [smem:$0x3FB5]  }
0x2d: {  	s3 =	simm.s32 $0x108;
	s8 =	sld [smem:$0x3FB6]  }
0x2e: {  	s3 =	simm.s32 @!p0 $0x1082;
	s9 =	sld [smem:$0x3FB7]  }
0x2f: {  	lr =	sadd.s32 s0, s3;
	s0 =	sld [smem:$0x3FAE]  }
0x30: {  	s3 =	sld [smem:$0x3FB1]  }
0x31: {  	[smem:$0x3FBA] =	sst s10  }
0x32: {  	s10 =	sld [smem:$0x3FB8];
	_ =	sdelay $0x3  }
0x33: {  	p0 =	seq.s32 s10, $0x1;
	s10 =	sld [smem:$0x3FBA];
	_ =	sdelay $0x3  }
0x34: {  	[smem:$0x3FBA] =	sst s10  }
0x35: {  	s10 =	sld [smem:$0x3FB9];
	_ =	sdelay $0x3  }
0x36: {  	p1 =	seq.s32 s10, $0x1;
	s10 =	sld [smem:$0x3FBA];
	_ =	sdelay $0x3  }
0x37: {  	[smem:$0x3FBA] =	sst s10  }
0x38: {  	s10 =	sld [smem:$0x3FBB]  }
0x39: {  	_ = 	snop;
	(pc) =	sbr.ind lr, $3  }
0x3a: {  	_ = 	snop  }
0x3b: {  	_ = 	snop  }
0x3c: {  	p2 =	seq.s32 s10, $0x1;
	s10 =	sld [smem:$0x3FBA]  }
0x3d: {  	_ =	shalt  }
0x3e: {  	_ =	shalt  }
0x3f: {  	_ =	shalt  }
0x40: {  	_ =	shalt  }
0x41: {  	_ =	shalt  }
0x42: {  	_ =	shalt  }
0x43: {  	_ =	shalt  }
0x44: {  	_ =	shalt  }
0x45: {  	_ =	shalt  }
0x46: {  	_ =	shalt  }
0x47: {  	_ =	shalt  }
0x48: {  	_ =	shalt  }
0x49: {  	_ =	shalt  }
0x4a: {  	_ =	shalt  }
0x4b: {  	_ =	shalt  }
0x4c: {  	_ =	shalt  }
0x4d: {  	_ =	shalt  }
0x4e: {  	_ =	shalt  }
0x4f: {  	_ =	shalt  }
0x50: {  	_ =	shalt  }
0x51: {  	_ =	shalt  }
0x52: {  	_ =	shalt  }
0x53: {  	_ =	shalt  }
0x54: {  	_ =	shalt  }
0x55: {  	_ =	shalt  }
0x56: {  	_ =	shalt  }
0x57: {  	_ =	shalt  }
0x58: {  	_ =	shalt  }
0x59: {  	_ =	shalt  }
0x5a: {  	_ =	shalt  }
0x5b: {  	_ =	shalt  }
0x5c: {  	_ =	shalt  }
0x5d: {  	_ =	shalt  }
0x5e: {  	_ =	shalt  }
0x5f: {  	_ =	shalt  }
0x60: {  	_ =	shalt  }
0x61: {  	_ =	shalt  }
0x62: {  	_ =	shalt  }
0x63: {  	_ =	shalt  }
0x64: {  	_ =	shalt  }
0x65: {  	_ =	shalt  }
0x66: {  	_ =	shalt  }
0x67: {  	_ =	shalt  }
0x68: {  	_ =	shalt  }
0x69: {  	_ =	shalt  }
0x6a: {  	_ =	shalt  }
0x6b: {  	_ =	shalt  }
0x6c: {  	_ =	shalt  }
0x6d: {  	_ =	shalt  }
0x6e: {  	_ =	shalt  }
0x6f: {  	_ =	shalt  }
0x70: {  	_ =	shalt  }
0x71: {  	_ =	shalt  }
0x72: {  	_ =	shalt  }
0x73: {  	_ =	shalt  }
0x74: {  	_ =	shalt  }
0x75: {  	_ =	shalt  }
0x76: {  	_ =	shalt  }
0x77: {  	_ =	shalt  }
0x78: {  	_ =	shalt  }
0x79: {  	_ =	shalt  }
0x7a: {  	_ =	shalt  }
0x7b: {  	_ =	shalt  }
0x7c: {  	_ =	shalt  }
0x7d: {  	_ =	shalt  }
0x7e: {  	_ =	shalt  }
0x7f: {  	_ =	shalt  }
0x80: {  	_ =	shalt  }
0x81: {  	_ =	shalt  }
0x82: {  	_ =	shalt  }
0x83: {  	_ =	shalt  }
0x84: {  	_ =	shalt  }
0x85: {  	_ =	shalt  }
0x86: {  	_ =	shalt  }
0x87: {  	_ =	shalt  }
.Lfunc_end0:
.L_simem_size_0:
called_computation.1_lowered:
.L_overlay_start_0:
0x88: {  	s2 =	sld [smem:$0x3FD9]  }
0x89: {  	s3 =	sld [smem:$0x3FFE];
	_ =	sdelay $0x1  }
0x8a: {  	s1 =	srdreg.scid  }
0x8b: {  	s0 =	sand.u32 $0x1, s1  }
0x8c: {  	s15 =	sshll.u32 s0, $0xA;
	s2 =	sadd.s32 s3, s2  }
0x8d: {  	s2 =	sadd.s32 s2, s15  }
0x8e: {  	[smem:$0x3FC6] =	sst s2  }
0x8f: {  	_ = 	snop  }
0x90: {  	s16 =	sld [smem:$0x3FD0];
	_ =	sdelay $0x2  }
0x91: {  	s4 =	simm.s32 $0xB;
	s5 =	simm.s32 $0x10;
	s2 =	sld [smem:$0x3FC8]  }
0x92: {  	[smem:s5], [sflag:s4] =	dma.local [hbm:s16], $0x1  }
0x93: {  	_ =	swait.eq [sflag:s4], $0x1  }
0x94: {  	[sflag:s4] =	ssyncset.done $0x0  }
0x95: {  	[sflag:s4] =	ssyncadd.s32 $0xFFFFFFFF  }
0x96: {  	s17 =	sld [smem:$0x10];
	(tm) =	ssettm $0x1  }
0x97: {  	s18 =	sld [smem:$0x3FFB];
	_ =	sdelay $0x3  }
0x98: {  	_ =	strace s18  }
0x99: {  	s3 =	sld [smem:$0x3FFC];
	_ =	sdelay $0x3  }
0x9a: {  	_ =	strace s3  }
0x9b: {  	s3 =	sld [smem:$0x3FFD];
	_ =	sdelay $0x3  }
0x9c: {  	_ =	strace s3  }
0x9d: {  	_ =	strace $0x8FFFFFFF  }
0x9e: {  	s19 =	sld [smem:$0x3FDB];
	_ =	sdelay $0x1  }
0x9f: {  	s20 =	simm.s32 $_scs_section_size  }
0xa0: {  	s6 =	simm.s32 $_size__tile_overlayer_lowered;
	s7 =	simm.s32 $_tile_overlayer_lowered  }
0xa1: {  	s8 =	simm.s32 $0x1BFF;
	s21 =	sshll.u32 s7, $0x1;
	s5 =	sadd.s32 s20, s19  }
0xa2: {  	s22 =	simm.s32 $0x0;
	s6 =	sshll.u32 s6, $0x1;
	s7 =	sadd.s32 s21, s5  }
0xa3: {  	[timem:s22], [sflag:s8] =	dma.local [hbm:s7], s6  }
0xa4: {  	_ =	swait.ge [sflag:s8], s6  }
0xa5: {  	s6 =	ssub.s32 $0x0, s6;
	[sflag:s8] =	ssyncset.done $0x0  }
0xa6: {  	[sflag:s8] =	ssyncadd.s32 s6;
	_ =	sdelay $0x1  }
0xa7: {  	s23 =	simm.s32 $0x1B8B  }
0xa8: {  	_ =	swait.ge [sflag:s23], $0x1  }
0xa9: {  	[sflag:s23] =	ssyncset.done $0x0  }
0xaa: {  	[sflag:s23] =	ssyncadd.s32 $0xFFFFFFFF  }
0xab: {  	s6 =	sld [smem:$0x0]  }
0xac: {  	s7 =	sand.u32 $0xFFFFFFFE, s1  }
0xad: {  	p0 =	sne.s32 s1, s7  }
0xae: {  	s7 =	sshll.u32 @p0 s7, $0xE  }
0xaf: {  	s7 =	sadd.s32 @p0 $0x11B8D, s7;
	s8 =	sshll.u32 @p0 s6, $0x11  }
0xb0: {  	s7 =	sor.u32 @p0 s8, s7  }
0xb1: {  	[sflag:s7] =	ssyncadd.remote.s32 @p0 $0x1;
	_ =	sdelay $0x1  }
0xb2: {  	s7 =	simm.s32 @p0 $0x1B8D  }
0xb3: {  	_ =	swait.eq @p0 [sflag:s7], $0x1  }
0xb4: {  	[sflag:s7] =	ssyncadd.s32 @p0 $0xFFFFFFFF  }
0xb5: {  	s8 =	sshll.u32 @!p0 s1, $0xE  }
0xb6: {  	s8 =	sor.u32 @!p0 $0x4000, s8;
	s7 =	simm.s32 @!p0 $0x1B8D  }
0xb7: {  	s6 =	sshll.u32 @!p0 s6, $0x11;
	s8 =	sadd.s32 @!p0 $0x11B8D, s8;
	_ =	swait.eq @!p0 [sflag:s7], $0x1  }
0xb8: {  	s6 =	sor.u32 @!p0 s6, s8;
	[sflag:s7] =	ssyncadd.s32 @!p0 $0xFFFFFFFF  }
0xb9: {  	s25 =	simm.s32 $0x1B8E;
	s24 =	sld [smem:$0x3FFE];
	[sflag:s6] =	ssyncadd.remote.s32 @!p0 $0x1  }
0xba: {  	s26 =	simm.s32 $execute0_lowered;
	[smem:$0x3FD2] =	sst s25  }
0xbb: {  	s7 =	sshll.u32 s26, $0x1;
	_ =	strace $0x80000049;
	[dreg:$0x1] =	wrdreg $0xFFFFFFFF  }
0xbc: {  	s28 =	simm.s32 $_size_execute0_lowered;
	s5 =	sadd.s32 s5, s7;
	[dreg:$0x0] =	wrdreg $0x0  }
0xbd: {  	s7 =	sshll.u32 s28, $0x1;
	[dreg:$0x2] =	wrdreg s5  }
0xbe: {  	[dreg:$0x3] =	wrdreg s7  }
0xbf: {  	[dreg:$0x4] =	wrdreg $0xC0  }
0xc0: {  	_ =	task [dreg:s22], $0x5FFFF  }
0xc1: {  	[dreg:$0x1] =	wrdreg $0xFFFFFFFF  }
0xc2: {  	[dreg:$0x0] =	wrdreg $0x60  }
0xc3: {  	[dreg:$0x2] =	wrdreg s2  }
0xc4: {  	[dreg:$0x3] =	wrdreg s17  }
0xc5: {  	[dreg:$0x4] =	wrdreg s24  }
0xc6: {  	[dreg:$0x5] =	wrdreg $0xA  }
0xc7: {  	_ =	task.clear_ibuf [dreg:s22], $0x6FFFF;
	_ =	strace $0x90000049  }
0xc8: {  	s29 =	simm.s32 $0xA;
	_ =	strace $0x8000004B  }
0xc9: {  	_ =	swait.ge [sflag:s29], $0x1  }
0xca: {  	[sflag:s29] =	ssyncadd.s32 $0xFFFFFFFF  }
0xcb: {  	_ =	strace $0x9000004B  }
0xcc: {  	_ =	sfence  }
0xcd: {  	s30 =	sld [smem:$0x0];
	_ =	sdelay $0x2  }
0xce: {  	s31 =	sshll.u32 s1, $0xD;
	s1 =	sshrl.u32 s1, $0x2  }
0xcf: {  	s4 =	sand.u32 $0x4000, s31;
	s1 =	sadd.s32 s1, s30  }
0xd0: {  	s0 =	sor.u32 s4, s0;
	s1 =	sshll.u32 s1, $0x11  }
0xd1: {  	s0 =	sor.u32 s1, s0  }
0xd2: {  	s0 =	sadd.s32 $0x8F2B, s0  }
0xd3: {  	[sflag:s0] =	ssyncadd.remote.s32 $0x1  }
0xd4: {  	_ =	sfence.sel $0xFFFF  }
0xd5: {  	[dreg:$0x0] =	wrdreg $0xFFFFFFFF;
	(pc) =	sbr.abs _section_cstart, $3  }
0xd6: {  	[dreg:$0x1] =	wrdreg $0xFFFFFFFF  }
0xd7: {  	_ =	task.clear_ibuf [dreg:s22], $0x2FFFF;
	_ =	strace $0x9FFFFFFF  }
0xd8: {  	(tm) =	ssettm $0x7FFFFFFF  }
0xd9: {  	_ =	shalt  }
tec
execute0_lowered:
.L_overlay_start_1:
0x0: {  	(tag) =	ssettag $0x1  }
0x1: {  	s1 =	rddreg [dreg:$0x0]  }
0x2: {  	s0 =	rddreg [dreg:$0x1]  }
0x3: {  	s2 =	rddreg [dreg:$0x2]  }
0x4: {  	s3 =	simm.s32 $0x0;
	s4 =	srdreg.scid;
	s8 =	stileid.u32  }
0x5: {  	s13 =	simm.s32 $0x2;
	s15 =	simm.s32 $0xA00;
	s16 =	simm.s32 $0x1200  }
0x6: {  	s17 =	simm.s32 $0x1A00;
	s18 =	simm.s32 $0x2200;
	s19 =	simm.s32 $0x2A00  }
0x7: {  	s28 =	simm.s32 $0x6200;
	s29 =	simm.s32 $0x6A00;
	s30 =	simm.s32 $0x7200  }
0x8: {  	s31 =	simm.s32 $0x7A00;
	s9 =	simm.s32 $0xAA00;
	s10 =	simm.s32 $0xB200  }
0x9: {  	s11 =	simm.s32 $0xBA00;
	[smem:$0x7FF] =	sst s3;
	s4 =	sand.u32 $0x1, s4  }
0xa: {  	s5 =	sshll.u32 s8, $0xF;
	s20 =	sshll.u32 s8, $0x7;
	s8 =	simm.s32 $0xA200  }
0xb: {  	s6 =	sshll.u32 s4, $0xE;
	s7 =	sshll.u32 s4, $0x6;
	_ =	strace $0x8000004A  }
0xc: {  	s4 =	ssub.s32 $0x2, s4;
	s5 =	sor.u32 s6, s5;
	s0 =	sadd.s32 s0, s7  }
0xd: {  	s24 =	sshrl.u32 s4, $0x1;
	s7 =	simm.s32 $0x9A00;
	s2 =	sadd.s32 s5, s2  }
0xe: {  	s0 =	sadd.s32 s20, s0;
	s26 =	ssub.s32 s4, s24;
	s5 =	simm.s32 $0x3  }
0xf: {  	s20 =	simm.s32 $0x3200;
	[dreg:$0x4] =	wrdreg s0;
	s21 =	sadd.s32 $0x81000, s2  }
0x10: {  	s24 =	simm.s32 $0x4A00;
	s22 =	sadd.s32 $0x82000, s2;
	[dreg:$0x5] =	wrdreg s21  }
0x11: {  	s23 =	sadd.s32 $0x83000, s2;
	s25 =	sadd.s32 $0x84000, s2;
	[dreg:$0x6] =	wrdreg s22  }
0x12: {  	v2 =	vlaneseq.u32;
	s4 =	smax.u32 s26, $0x1;
	s2 =	simm.s32 $0x1;
	[dreg:$0x7] =	wrdreg s23  }
0x13: {  	vm0 =	vmmov $0xffff;
	v1 =	vshrl.u32 v2, $0x3;
	s26 =	simm.s32 $0x5A00;
	[dreg:$0x8] =	wrdreg s25;
	s21 =	simm.s32 $0x3A00  }
0x14: {  	v0 =	vand.u32 $0x7, v2;
	v2 =	vor.u32 $0x8, v2;
	v1 =	vmul.u32 $0x8, v1;
	s23 =	simm.s32 $0x4200;
	s25 =	simm.s32 $0x5200;
	s22 =	simm.s32 $0x8A00  }
.LBB2_1:
0x15: {  	s14 =	rddreg [dreg:$0x4]  }
0x16: {  	[tilespmem:s3], [sflag:$0x3] =	stream.linear.gather [hbm4b:s14+s3], $0x200, $0x38;
	[tilespmem:$0x10200] =	vst v63  }
0x17: {  	_ =	swait.ge [sflag:s5], $0x200  }
0x18: {  	[sflag:s5] =	ssyncset.done $0x0  }
0x19: {  	[sflag:s5] =	ssyncadd.s32 $0xFFFFFE00  }
0x1a: {  	v3 =	vld [tilespmem:$0x0];
	_ =	sdelay $0x4  }
0x1b: {  	v4 =	vshll.u32 v3, $0x1  }
0x1c: {  	v3 =	vand.u32 $0x7, v3;
	v4 =	vand.u32 $0xFFFFFFF0, v4  }
0x1d: {  	v3 =	vor.u32 v3, v4  }
0x1e: {  	v4 =	vperm.xlane v3, v0;
	_ =	sdelay $0x1  }
0x1f: {  	v3 =	vperm.xlane v3, v2;
	v4 =	vadd.s32 v1, v4;
	_ =	sdelay $0x1  }
0x20: {  	v3 =	vadd.s32 v1, v3;
	_ =	sdelay $0x1  }
0x21: {  	s0 =	simm.s32 $0x200  }
0x22: {  	[tilespmem:s0], [sflag:$0x1] =	stream.indirect_vreg.gather [hbm4b:s1+s3], $0x80, v4, vm0, $0xb8;
	[tilespmem:$0x10200] =	vst v63  }
0x23: {  	_ = 	snop  }
0x24: {  	[tilespmem:s15], [sflag:$0x1] =	stream.indirect_vreg.gather [hbm4b:s1+s3], $0x80, v3, vm0, $0xb8;
	[tilespmem:$0x10200] =	vst v63  }
0x25: {  	v3 =	vld [tilespmem:$0x10];
	_ =	sdelay $0x4  }
0x26: {  	v33 =	vshll.u32 v3, $0x1  }
0x27: {  	v3 =	vand.u32 $0x7, v3;
	v4 =	vand.u32 $0xFFFFFFF0, v33  }
0x28: {  	v3 =	vor.u32 v3, v4  }
0x29: {  	v4 =	vperm.xlane v3, v0;
	_ =	sdelay $0x1  }
0x2a: {  	v3 =	vperm.xlane v3, v2;
	v4 =	vadd.s32 v1, v4;
	_ =	sdelay $0x1  }
0x2b: {  	v3 =	vadd.s32 v1, v3;
	_ =	sdelay $0x2  }
0x2c: {  	[tilespmem:s16], [sflag:$0x1] =	stream.indirect_vreg.gather [hbm4b:s1+s3], $0x80, v4, vm0, $0xb8;
	[tilespmem:$0x10200] =	vst v63  }
0x2d: {  	_ = 	snop  }
0x2e: {  	[tilespmem:s17], [sflag:$0x1] =	stream.indirect_vreg.gather [hbm4b:s1+s3], $0x80, v3, vm0, $0xb8;
	[tilespmem:$0x10200] =	vst v63  }
0x2f: {  	v3 =	vld [tilespmem:$0x20];
	_ =	sdelay $0x4  }
0x30: {  	v34 =	vshll.u32 v3, $0x1  }
0x31: {  	v3 =	vand.u32 $0x7, v3;
	v4 =	vand.u32 $0xFFFFFFF0, v34  }
0x32: {  	v3 =	vor.u32 v3, v4  }
0x33: {  	v4 =	vperm.xlane v3, v0;
	_ =	sdelay $0x1  }
0x34: {  	v3 =	vperm.xlane v3, v2;
	v4 =	vadd.s32 v1, v4;
	_ =	sdelay $0x1  }
0x35: {  	v3 =	vadd.s32 v1, v3;
	_ =	sdelay $0x2  }
0x36: {  	[tilespmem:s18], [sflag:$0x1] =	stream.indirect_vreg.gather [hbm4b:s1+s3], $0x80, v4, vm0, $0xb8;
	[tilespmem:$0x10200] =	vst v63  }
0x37: {  	_ = 	snop  }
0x38: {  	[tilespmem:s19], [sflag:$0x1] =	stream.indirect_vreg.gather [hbm4b:s1+s3], $0x80, v3, vm0, $0xb8;
	[tilespmem:$0x10200] =	vst v63  }
0x39: {  	v3 =	vld [tilespmem:$0x30];
	_ =	sdelay $0x4  }
0x3a: {  	v35 =	vshll.u32 v3, $0x1  }
0x3b: {  	v3 =	vand.u32 $0x7, v3;
	v4 =	vand.u32 $0xFFFFFFF0, v35  }
0x3c: {  	v3 =	vor.u32 v3, v4  }
0x3d: {  	v4 =	vperm.xlane v3, v0;
	_ =	sdelay $0x1  }
0x3e: {  	v3 =	vperm.xlane v3, v2;
	v4 =	vadd.s32 v1, v4;
	_ =	sdelay $0x1  }
0x3f: {  	v3 =	vadd.s32 v1, v3;
	_ =	sdelay $0x2  }
0x40: {  	[tilespmem:s20], [sflag:$0x1] =	stream.indirect_vreg.gather [hbm4b:s1+s3], $0x80, v4, vm0, $0xb8;
	[tilespmem:$0x10200] =	vst v63  }
0x41: {  	_ = 	snop  }
0x42: {  	[tilespmem:s21], [sflag:$0x1] =	stream.indirect_vreg.gather [hbm4b:s1+s3], $0x80, v3, vm0, $0xb8;
	[tilespmem:$0x10200] =	vst v63  }
0x43: {  	v3 =	vld [tilespmem:$0x40];
	_ =	sdelay $0x4  }
0x44: {  	v36 =	vshll.u32 v3, $0x1  }
0x45: {  	v3 =	vand.u32 $0x7, v3;
	v4 =	vand.u32 $0xFFFFFFF0, v36  }
0x46: {  	v3 =	vor.u32 v3, v4  }
0x47: {  	v4 =	vperm.xlane v3, v0;
	_ =	sdelay $0x1  }
0x48: {  	v3 =	vperm.xlane v3, v2;
	v4 =	vadd.s32 v1, v4;
	_ =	sdelay $0x1  }
0x49: {  	v3 =	vadd.s32 v1, v3;
	_ =	sdelay $0x2  }
0x4a: {  	[tilespmem:s23], [sflag:$0x1] =	stream.indirect_vreg.gather [hbm4b:s1+s3], $0x80, v4, vm0, $0xb8;
	[tilespmem:$0x10200] =	vst v63  }
0x4b: {  	_ = 	snop  }
0x4c: {  	[tilespmem:s24], [sflag:$0x1] =	stream.indirect_vreg.gather [hbm4b:s1+s3], $0x80, v3, vm0, $0xb8;
	[tilespmem:$0x10200] =	vst v63  }
0x4d: {  	v3 =	vld [tilespmem:$0x50];
	_ =	sdelay $0x4  }
0x4e: {  	v37 =	vshll.u32 v3, $0x1  }
0x4f: {  	v3 =	vand.u32 $0x7, v3;
	v4 =	vand.u32 $0xFFFFFFF0, v37  }
0x50: {  	v3 =	vor.u32 v3, v4  }
0x51: {  	v4 =	vperm.xlane v3, v0;
	_ =	sdelay $0x1  }
0x52: {  	v3 =	vperm.xlane v3, v2;
	v4 =	vadd.s32 v1, v4;
	_ =	sdelay $0x1  }
0x53: {  	v3 =	vadd.s32 v1, v3;
	_ =	sdelay $0x2  }
0x54: {  	[tilespmem:s25], [sflag:$0x1] =	stream.indirect_vreg.gather [hbm4b:s1+s3], $0x80, v4, vm0, $0xb8;
	[tilespmem:$0x10200] =	vst v63  }
0x55: {  	_ = 	snop  }
0x56: {  	[tilespmem:s26], [sflag:$0x1] =	stream.indirect_vreg.gather [hbm4b:s1+s3], $0x80, v3, vm0, $0xb8;
	[tilespmem:$0x10200] =	vst v63  }
0x57: {  	v3 =	vld [tilespmem:$0x60];
	_ =	sdelay $0x4  }
0x58: {  	v38 =	vshll.u32 v3, $0x1  }
0x59: {  	v3 =	vand.u32 $0x7, v3;
	v4 =	vand.u32 $0xFFFFFFF0, v38  }
0x5a: {  	v3 =	vor.u32 v3, v4  }
0x5b: {  	v4 =	vperm.xlane v3, v0;
	_ =	sdelay $0x1  }
0x5c: {  	v3 =	vperm.xlane v3, v2;
	v4 =	vadd.s32 v1, v4;
	_ =	sdelay $0x1  }
0x5d: {  	v3 =	vadd.s32 v1, v3;
	_ =	sdelay $0x2  }
0x5e: {  	[tilespmem:s28], [sflag:$0x1] =	stream.indirect_vreg.gather [hbm4b:s1+s3], $0x80, v4, vm0, $0xb8;
	[tilespmem:$0x10200] =	vst v63  }
0x5f: {  	_ = 	snop  }
0x60: {  	[tilespmem:s29], [sflag:$0x1] =	stream.indirect_vreg.gather [hbm4b:s1+s3], $0x80, v3, vm0, $0xb8;
	[tilespmem:$0x10200] =	vst v63  }
0x61: {  	v3 =	vld [tilespmem:$0x70];
	_ =	sdelay $0x4  }
0x62: {  	v39 =	vshll.u32 v3, $0x1  }
0x63: {  	v3 =	vand.u32 $0x7, v3;
	v4 =	vand.u32 $0xFFFFFFF0, v39  }
0x64: {  	v3 =	vor.u32 v3, v4  }
0x65: {  	v4 =	vperm.xlane v3, v0;
	_ =	sdelay $0x1  }
0x66: {  	v3 =	vperm.xlane v3, v2;
	v4 =	vadd.s32 v1, v4;
	_ =	sdelay $0x1  }
0x67: {  	v3 =	vadd.s32 v1, v3;
	_ =	sdelay $0x2  }
0x68: {  	[tilespmem:s30], [sflag:$0x1] =	stream.indirect_vreg.gather [hbm4b:s1+s3], $0x80, v4, vm0, $0xb8;
	[tilespmem:$0x10200] =	vst v63  }
0x69: {  	_ = 	snop  }
0x6a: {  	[tilespmem:s31], [sflag:$0x1] =	stream.indirect_vreg.gather [hbm4b:s1+s3], $0x80, v3, vm0, $0xb8;
	[tilespmem:$0x10200] =	vst v63  }
0x6b: {  	v3 =	vld [tilespmem:$0x80];
	_ =	sdelay $0x4  }
0x6c: {  	v40 =	vshll.u32 v3, $0x1  }
0x6d: {  	v3 =	vand.u32 $0x7, v3;
	v4 =	vand.u32 $0xFFFFFFF0, v40  }
0x6e: {  	v3 =	vor.u32 v3, v4  }
0x6f: {  	v4 =	vperm.xlane v3, v0;
	_ =	sdelay $0x1  }
0x70: {  	v3 =	vperm.xlane v3, v2;
	v4 =	vadd.s32 v1, v4;
	_ =	sdelay $0x1  }
0x71: {  	v3 =	vadd.s32 v1, v3;
	_ =	sdelay $0x1  }
0x72: {  	s0 =	simm.s32 $0x8200  }
0x73: {  	[tilespmem:s0], [sflag:$0x2] =	stream.indirect_vreg.gather [hbm4b:s1+s3], $0x80, v4, vm0, $0xb8;
	[tilespmem:$0x10200] =	vst v63  }
0x74: {  	_ = 	snop  }
0x75: {  	[tilespmem:s22], [sflag:$0x2] =	stream.indirect_vreg.gather [hbm4b:s1+s3], $0x80, v3, vm0, $0xb8;
	[tilespmem:$0x10200] =	vst v63  }
0x76: {  	v3 =	vld [tilespmem:$0x90];
	_ =	sdelay $0x4  }
0x77: {  	v41 =	vshll.u32 v3, $0x1  }
0x78: {  	v3 =	vand.u32 $0x7, v3;
	v4 =	vand.u32 $0xFFFFFFF0, v41  }
0x79: {  	v3 =	vor.u32 v3, v4  }
0x7a: {  	v4 =	vperm.xlane v3, v0;
	_ =	sdelay $0x1  }
0x7b: {  	v3 =	vperm.xlane v3, v2;
	v4 =	vadd.s32 v1, v4;
	_ =	sdelay $0x1  }
0x7c: {  	v3 =	vadd.s32 v1, v3;
	_ =	sdelay $0x1  }
0x7d: {  	s6 =	simm.s32 $0x9200  }
0x7e: {  	[tilespmem:s6], [sflag:$0x2] =	stream.indirect_vreg.gather [hbm4b:s1+s3], $0x80, v4, vm0, $0xb8;
	[tilespmem:$0x10200] =	vst v63  }
0x7f: {  	_ = 	snop  }
0x80: {  	[tilespmem:s7], [sflag:$0x2] =	stream.indirect_vreg.gather [hbm4b:s1+s3], $0x80, v3, vm0, $0xb8;
	[tilespmem:$0x10200] =	vst v63  }
0x81: {  	v3 =	vld [tilespmem:$0xA0];
	_ =	sdelay $0x4  }
0x82: {  	v42 =	vshll.u32 v3, $0x1  }
0x83: {  	v3 =	vand.u32 $0x7, v3;
	v4 =	vand.u32 $0xFFFFFFF0, v42  }
0x84: {  	v3 =	vor.u32 v3, v4  }
0x85: {  	v4 =	vperm.xlane v3, v0;
	_ =	sdelay $0x1  }
0x86: {  	v3 =	vperm.xlane v3, v2;
	v4 =	vadd.s32 v1, v4;
	_ =	sdelay $0x1  }
0x87: {  	v3 =	vadd.s32 v1, v3;
	_ =	sdelay $0x2  }
0x88: {  	[tilespmem:s8], [sflag:$0x2] =	stream.indirect_vreg.gather [hbm4b:s1+s3], $0x80, v4, vm0, $0xb8;
	[tilespmem:$0x10200] =	vst v63  }
0x89: {  	_ = 	snop  }
0x8a: {  	[tilespmem:s9], [sflag:$0x2] =	stream.indirect_vreg.gather [hbm4b:s1+s3], $0x80, v3, vm0, $0xb8;
	[tilespmem:$0x10200] =	vst v63  }
0x8b: {  	v3 =	vld [tilespmem:$0xB0];
	_ =	sdelay $0x4  }
0x8c: {  	v43 =	vshll.u32 v3, $0x1  }
0x8d: {  	v3 =	vand.u32 $0x7, v3;
	v4 =	vand.u32 $0xFFFFFFF0, v43  }
0x8e: {  	v3 =	vor.u32 v3, v4  }
0x8f: {  	v4 =	vperm.xlane v3, v0;
	_ =	sdelay $0x1  }
0x90: {  	v3 =	vperm.xlane v3, v2;
	v4 =	vadd.s32 v1, v4;
	_ =	sdelay $0x1  }
0x91: {  	v3 =	vadd.s32 v1, v3;
	_ =	sdelay $0x2  }
0x92: {  	[tilespmem:s10], [sflag:$0x2] =	stream.indirect_vreg.gather [hbm4b:s1+s3], $0x80, v4, vm0, $0xb8;
	[tilespmem:$0x10200] =	vst v63  }
0x93: {  	_ = 	snop  }
0x94: {  	[tilespmem:s11], [sflag:$0x2] =	stream.indirect_vreg.gather [hbm4b:s1+s3], $0x80, v3, vm0, $0xb8;
	[tilespmem:$0x10200] =	vst v63  }
0x95: {  	v3 =	vld [tilespmem:$0xC0];
	_ =	sdelay $0x4  }
0x96: {  	v44 =	vshll.u32 v3, $0x1  }
0x97: {  	v3 =	vand.u32 $0x7, v3;
	v4 =	vand.u32 $0xFFFFFFF0, v44  }
0x98: {  	v3 =	vor.u32 v3, v4  }
0x99: {  	v4 =	vperm.xlane v3, v0;
	_ =	sdelay $0x1  }
0x9a: {  	v3 =	vperm.xlane v3, v2;
	v4 =	vadd.s32 v1, v4;
	_ =	sdelay $0x1  }
0x9b: {  	v3 =	vadd.s32 v1, v3;
	_ =	sdelay $0x1  }
0x9c: {  	s6 =	simm.s32 $0xC200  }
0x9d: {  	[tilespmem:s6], [sflag:$0x2] =	stream.indirect_vreg.gather [hbm4b:s1+s3], $0x80, v4, vm0, $0xb8;
	[tilespmem:$0x10200] =	vst v63  }
0x9e: {  	s12 =	simm.s32 $0xCA00  }
0x9f: {  	[tilespmem:s12], [sflag:$0x2] =	stream.indirect_vreg.gather [hbm4b:s1+s3], $0x80, v3, vm0, $0xb8;
	[tilespmem:$0x10200] =	vst v63  }
0xa0: {  	v3 =	vld [tilespmem:$0xD0];
	_ =	sdelay $0x4  }
0xa1: {  	v45 =	vshll.u32 v3, $0x1  }
0xa2: {  	v3 =	vand.u32 $0x7, v3;
	v4 =	vand.u32 $0xFFFFFFF0, v45  }
0xa3: {  	v3 =	vor.u32 v3, v4  }
0xa4: {  	v4 =	vperm.xlane v3, v0;
	_ =	sdelay $0x1  }
0xa5: {  	v3 =	vperm.xlane v3, v2;
	v4 =	vadd.s32 v1, v4;
	_ =	sdelay $0x1  }
0xa6: {  	v3 =	vadd.s32 v1, v3;
	_ =	sdelay $0x1  }
0xa7: {  	s14 =	simm.s32 $0xD200  }
0xa8: {  	[tilespmem:s14], [sflag:$0x2] =	stream.indirect_vreg.gather [hbm4b:s1+s3], $0x80, v4, vm0, $0xb8;
	[tilespmem:$0x10200] =	vst v63  }
0xa9: {  	s14 =	simm.s32 $0xDA00  }
0xaa: {  	[tilespmem:s14], [sflag:$0x2] =	stream.indirect_vreg.gather [hbm4b:s1+s3], $0x80, v3, vm0, $0xb8;
	[tilespmem:$0x10200] =	vst v63  }
0xab: {  	v3 =	vld [tilespmem:$0xE0];
	_ =	sdelay $0x4  }
0xac: {  	v46 =	vshll.u32 v3, $0x1  }
0xad: {  	v3 =	vand.u32 $0x7, v3;
	v4 =	vand.u32 $0xFFFFFFF0, v46  }
0xae: {  	v3 =	vor.u32 v3, v4  }
0xaf: {  	v4 =	vperm.xlane v3, v0;
	_ =	sdelay $0x1  }
0xb0: {  	v3 =	vperm.xlane v3, v2;
	v4 =	vadd.s32 v1, v4;
	_ =	sdelay $0x1  }
0xb1: {  	v3 =	vadd.s32 v1, v3;
	_ =	sdelay $0x1  }
0xb2: {  	s14 =	simm.s32 $0xE200  }
0xb3: {  	[tilespmem:s14], [sflag:$0x2] =	stream.indirect_vreg.gather [hbm4b:s1+s3], $0x80, v4, vm0, $0xb8;
	[tilespmem:$0x10200] =	vst v63  }
0xb4: {  	s14 =	simm.s32 $0xEA00  }
0xb5: {  	[tilespmem:s14], [sflag:$0x2] =	stream.indirect_vreg.gather [hbm4b:s1+s3], $0x80, v3, vm0, $0xb8;
	[tilespmem:$0x10200] =	vst v63  }
0xb6: {  	v3 =	vld [tilespmem:$0xF0];
	_ =	sdelay $0x4  }
0xb7: {  	v47 =	vshll.u32 v3, $0x1  }
0xb8: {  	v3 =	vand.u32 $0x7, v3;
	v4 =	vand.u32 $0xFFFFFFF0, v47  }
0xb9: {  	v3 =	vor.u32 v3, v4  }
0xba: {  	v4 =	vperm.xlane v3, v0;
	_ =	sdelay $0x1  }
0xbb: {  	v3 =	vperm.xlane v3, v2;
	v4 =	vadd.s32 v1, v4;
	_ =	sdelay $0x1  }
0xbc: {  	v3 =	vadd.s32 v1, v3;
	_ =	sdelay $0x1  }
0xbd: {  	s14 =	simm.s32 $0xF200  }
0xbe: {  	[tilespmem:s14], [sflag:$0x2] =	stream.indirect_vreg.gather [hbm4b:s1+s3], $0x80, v4, vm0, $0xb8;
	[tilespmem:$0x10200] =	vst v63  }
0xbf: {  	s14 =	simm.s32 $0xFA00  }
0xc0: {  	[tilespmem:s14], [sflag:$0x2] =	stream.indirect_vreg.gather [hbm4b:s1+s3], $0x80, v3, vm0, $0xb8;
	[tilespmem:$0x10200] =	vst v63  }
0xc1: {  	_ =	swait.ge [sflag:s2], $0x8000  }
0xc2: {  	[sflag:s2] =	ssyncset.done $0x0  }
0xc3: {  	s12 =	simm.s32 $0x200;
	s14 =	rddreg [dreg:$0x5];
	[sflag:s2] =	ssyncadd.s32 $0xFFFF8000  }
0xc4: {  	[hbm4b:s14+s3] =	stream.linear.scatter [tilespmem:s12], [sflag:$0x3], $0x8000, $0x38;
	[tilespmem:$0x10200] =	vst v63  }
0xc5: {  	_ =	swait.ge [sflag:s5], $0x8000  }
0xc6: {  	[sflag:s5] =	ssyncset.done $0x0  }
0xc7: {  	[sflag:s5] =	ssyncadd.s32 $0xFFFF8000  }
0xc8: {  	v3 =	vld [tilespmem:$0x100];
	_ =	sdelay $0x4  }
0xc9: {  	v48 =	vshll.u32 v3, $0x1  }
0xca: {  	v3 =	vand.u32 $0x7, v3;
	v4 =	vand.u32 $0xFFFFFFF0, v48  }
0xcb: {  	v3 =	vor.u32 v3, v4  }
0xcc: {  	v4 =	vperm.xlane v3, v0;
	_ =	sdelay $0x1  }
0xcd: {  	v3 =	vperm.xlane v3, v2;
	v4 =	vadd.s32 v1, v4;
	_ =	sdelay $0x1  }
0xce: {  	v3 =	vadd.s32 v1, v3;
	_ =	sdelay $0x2  }
0xcf: {  	[tilespmem:s12], [sflag:$0x1] =	stream.indirect_vreg.gather [hbm4b:s1+s3], $0x80, v4, vm0, $0xb8;
	[tilespmem:$0x10200] =	vst v63  }
0xd0: {  	_ = 	snop  }
0xd1: {  	[tilespmem:s15], [sflag:$0x1] =	stream.indirect_vreg.gather [hbm4b:s1+s3], $0x80, v3, vm0, $0xb8;
	[tilespmem:$0x10200] =	vst v63  }
0xd2: {  	v3 =	vld [tilespmem:$0x110];
	_ =	sdelay $0x4  }
0xd3: {  	v49 =	vshll.u32 v3, $0x1  }
0xd4: {  	v3 =	vand.u32 $0x7, v3;
	v4 =	vand.u32 $0xFFFFFFF0, v49  }
0xd5: {  	v3 =	vor.u32 v3, v4  }
0xd6: {  	v4 =	vperm.xlane v3, v0;
	_ =	sdelay $0x1  }
0xd7: {  	v3 =	vperm.xlane v3, v2;
	v4 =	vadd.s32 v1, v4;
	_ =	sdelay $0x1  }
0xd8: {  	v3 =	vadd.s32 v1, v3;
	_ =	sdelay $0x2  }
0xd9: {  	[tilespmem:s16], [sflag:$0x1] =	stream.indirect_vreg.gather [hbm4b:s1+s3], $0x80, v4, vm0, $0xb8;
	[tilespmem:$0x10200] =	vst v63  }
0xda: {  	_ = 	snop  }
0xdb: {  	[tilespmem:s17], [sflag:$0x1] =	stream.indirect_vreg.gather [hbm4b:s1+s3], $0x80, v3, vm0, $0xb8;
	[tilespmem:$0x10200] =	vst v63  }
0xdc: {  	v3 =	vld [tilespmem:$0x120];
	_ =	sdelay $0x4  }
0xdd: {  	v50 =	vshll.u32 v3, $0x1  }
0xde: {  	v3 =	vand.u32 $0x7, v3;
	v4 =	vand.u32 $0xFFFFFFF0, v50  }
0xdf: {  	v3 =	vor.u32 v3, v4  }
0xe0: {  	v4 =	vperm.xlane v3, v0;
	_ =	sdelay $0x1  }
0xe1: {  	v3 =	vperm.xlane v3, v2;
	v4 =	vadd.s32 v1, v4;
	_ =	sdelay $0x1  }
0xe2: {  	v3 =	vadd.s32 v1, v3;
	_ =	sdelay $0x2  }
0xe3: {  	[tilespmem:s18], [sflag:$0x1] =	stream.indirect_vreg.gather [hbm4b:s1+s3], $0x80, v4, vm0, $0xb8;
	[tilespmem:$0x10200] =	vst v63  }
0xe4: {  	_ = 	snop  }
0xe5: {  	[tilespmem:s19], [sflag:$0x1] =	stream.indirect_vreg.gather [hbm4b:s1+s3], $0x80, v3, vm0, $0xb8;
	[tilespmem:$0x10200] =	vst v63  }
0xe6: {  	v3 =	vld [tilespmem:$0x130];
	_ =	sdelay $0x4  }
0xe7: {  	v51 =	vshll.u32 v3, $0x1  }
0xe8: {  	v3 =	vand.u32 $0x7, v3;
	v4 =	vand.u32 $0xFFFFFFF0, v51  }
0xe9: {  	v3 =	vor.u32 v3, v4  }
0xea: {  	v4 =	vperm.xlane v3, v0;
	_ =	sdelay $0x1  }
0xeb: {  	v3 =	vperm.xlane v3, v2;
	v4 =	vadd.s32 v1, v4;
	_ =	sdelay $0x1  }
0xec: {  	v3 =	vadd.s32 v1, v3;
	_ =	sdelay $0x2  }
0xed: {  	[tilespmem:s20], [sflag:$0x1] =	stream.indirect_vreg.gather [hbm4b:s1+s3], $0x80, v4, vm0, $0xb8;
	[tilespmem:$0x10200] =	vst v63  }
0xee: {  	_ = 	snop  }
0xef: {  	[tilespmem:s21], [sflag:$0x1] =	stream.indirect_vreg.gather [hbm4b:s1+s3], $0x80, v3, vm0, $0xb8;
	[tilespmem:$0x10200] =	vst v63  }
0xf0: {  	v3 =	vld [tilespmem:$0x140];
	_ =	sdelay $0x4  }
0xf1: {  	v52 =	vshll.u32 v3, $0x1  }
0xf2: {  	v3 =	vand.u32 $0x7, v3;
	v4 =	vand.u32 $0xFFFFFFF0, v52  }
0xf3: {  	v3 =	vor.u32 v3, v4  }
0xf4: {  	v4 =	vperm.xlane v3, v0;
	_ =	sdelay $0x1  }
0xf5: {  	v3 =	vperm.xlane v3, v2;
	v4 =	vadd.s32 v1, v4;
	_ =	sdelay $0x1  }
0xf6: {  	v3 =	vadd.s32 v1, v3;
	_ =	sdelay $0x2  }
0xf7: {  	[tilespmem:s23], [sflag:$0x1] =	stream.indirect_vreg.gather [hbm4b:s1+s3], $0x80, v4, vm0, $0xb8;
	[tilespmem:$0x10200] =	vst v63  }
0xf8: {  	_ = 	snop  }
0xf9: {  	[tilespmem:s24], [sflag:$0x1] =	stream.indirect_vreg.gather [hbm4b:s1+s3], $0x80, v3, vm0, $0xb8;
	[tilespmem:$0x10200] =	vst v63  }
0xfa: {  	v3 =	vld [tilespmem:$0x150];
	_ =	sdelay $0x4  }
0xfb: {  	v53 =	vshll.u32 v3, $0x1  }
0xfc: {  	v3 =	vand.u32 $0x7, v3;
	v4 =	vand.u32 $0xFFFFFFF0, v53  }
0xfd: {  	v3 =	vor.u32 v3, v4  }
0xfe: {  	v4 =	vperm.xlane v3, v0;
	_ =	sdelay $0x1  }
0xff: {  	v3 =	vperm.xlane v3, v2;
	v4 =	vadd.s32 v1, v4;
	_ =	sdelay $0x1  }
0x100: {  	v3 =	vadd.s32 v1, v3;
	_ =	sdelay $0x2  }
0x101: {  	[tilespmem:s25], [sflag:$0x1] =	stream.indirect_vreg.gather [hbm4b:s1+s3], $0x80, v4, vm0, $0xb8;
	[tilespmem:$0x10200] =	vst v63  }
0x102: {  	_ = 	snop  }
0x103: {  	[tilespmem:s26], [sflag:$0x1] =	stream.indirect_vreg.gather [hbm4b:s1+s3], $0x80, v3, vm0, $0xb8;
	[tilespmem:$0x10200] =	vst v63  }
0x104: {  	v3 =	vld [tilespmem:$0x160];
	_ =	sdelay $0x4  }
0x105: {  	v54 =	vshll.u32 v3, $0x1  }
0x106: {  	v3 =	vand.u32 $0x7, v3;
	v4 =	vand.u32 $0xFFFFFFF0, v54  }
0x107: {  	v3 =	vor.u32 v3, v4  }
0x108: {  	v4 =	vperm.xlane v3, v0;
	_ =	sdelay $0x1  }
0x109: {  	v3 =	vperm.xlane v3, v2;
	v4 =	vadd.s32 v1, v4;
	_ =	sdelay $0x1  }
0x10a: {  	v3 =	vadd.s32 v1, v3;
	_ =	sdelay $0x2  }
0x10b: {  	[tilespmem:s28], [sflag:$0x1] =	stream.indirect_vreg.gather [hbm4b:s1+s3], $0x80, v4, vm0, $0xb8;
	[tilespmem:$0x10200] =	vst v63  }
0x10c: {  	_ = 	snop  }
0x10d: {  	[tilespmem:s29], [sflag:$0x1] =	stream.indirect_vreg.gather [hbm4b:s1+s3], $0x80, v3, vm0, $0xb8;
	[tilespmem:$0x10200] =	vst v63  }
0x10e: {  	v3 =	vld [tilespmem:$0x170];
	_ =	sdelay $0x4  }
0x10f: {  	v55 =	vshll.u32 v3, $0x1  }
0x110: {  	v3 =	vand.u32 $0x7, v3;
	v4 =	vand.u32 $0xFFFFFFF0, v55  }
0x111: {  	v3 =	vor.u32 v3, v4  }
0x112: {  	v4 =	vperm.xlane v3, v0;
	_ =	sdelay $0x1  }
0x113: {  	v3 =	vperm.xlane v3, v2;
	v4 =	vadd.s32 v1, v4;
	_ =	sdelay $0x1  }
0x114: {  	v3 =	vadd.s32 v1, v3;
	_ =	sdelay $0x2  }
0x115: {  	[tilespmem:s30], [sflag:$0x1] =	stream.indirect_vreg.gather [hbm4b:s1+s3], $0x80, v4, vm0, $0xb8;
	[tilespmem:$0x10200] =	vst v63  }
0x116: {  	_ = 	snop  }
0x117: {  	[tilespmem:s31], [sflag:$0x1] =	stream.indirect_vreg.gather [hbm4b:s1+s3], $0x80, v3, vm0, $0xb8;
	[tilespmem:$0x10200] =	vst v63  }
0x118: {  	_ =	swait.ge [sflag:s13], $0x8000  }
0x119: {  	[sflag:s13] =	ssyncset.done $0x0  }
0x11a: {  	s12 =	rddreg [dreg:$0x6];
	[sflag:s13] =	ssyncadd.s32 $0xFFFF8000  }
0x11b: {  	[hbm4b:s12+s3] =	stream.linear.scatter [tilespmem:s0], [sflag:$0x3], $0x8000, $0x38;
	[tilespmem:$0x10200] =	vst v63  }
0x11c: {  	_ =	swait.ge [sflag:s5], $0x8000  }
0x11d: {  	[sflag:s5] =	ssyncset.done $0x0  }
0x11e: {  	[sflag:s5] =	ssyncadd.s32 $0xFFFF8000  }
0x11f: {  	v3 =	vld [tilespmem:$0x180];
	_ =	sdelay $0x4  }
0x120: {  	v56 =	vshll.u32 v3, $0x1  }
0x121: {  	v3 =	vand.u32 $0x7, v3;
	v4 =	vand.u32 $0xFFFFFFF0, v56  }
0x122: {  	v3 =	vor.u32 v3, v4  }
0x123: {  	v4 =	vperm.xlane v3, v0;
	_ =	sdelay $0x1  }
0x124: {  	v3 =	vperm.xlane v3, v2;
	v4 =	vadd.s32 v1, v4;
	_ =	sdelay $0x1  }
0x125: {  	v3 =	vadd.s32 v1, v3;
	_ =	sdelay $0x2  }
0x126: {  	[tilespmem:s0], [sflag:$0x2] =	stream.indirect_vreg.gather [hbm4b:s1+s3], $0x80, v4, vm0, $0xb8;
	[tilespmem:$0x10200] =	vst v63  }
0x127: {  	_ = 	snop  }
0x128: {  	[tilespmem:s22], [sflag:$0x2] =	stream.indirect_vreg.gather [hbm4b:s1+s3], $0x80, v3, vm0, $0xb8;
	[tilespmem:$0x10200] =	vst v63  }
0x129: {  	v3 =	vld [tilespmem:$0x190];
	_ =	sdelay $0x4  }
0x12a: {  	v57 =	vshll.u32 v3, $0x1  }
0x12b: {  	v3 =	vand.u32 $0x7, v3;
	v4 =	vand.u32 $0xFFFFFFF0, v57  }
0x12c: {  	v3 =	vor.u32 v3, v4  }
0x12d: {  	v4 =	vperm.xlane v3, v0;
	_ =	sdelay $0x1  }
0x12e: {  	v3 =	vperm.xlane v3, v2;
	v4 =	vadd.s32 v1, v4;
	_ =	sdelay $0x1  }
0x12f: {  	v3 =	vadd.s32 v1, v3;
	_ =	sdelay $0x1  }
0x130: {  	s14 =	simm.s32 $0x9200  }
0x131: {  	[tilespmem:s14], [sflag:$0x2] =	stream.indirect_vreg.gather [hbm4b:s1+s3], $0x80, v4, vm0, $0xb8;
	[tilespmem:$0x10200] =	vst v63  }
0x132: {  	_ = 	snop  }
0x133: {  	[tilespmem:s7], [sflag:$0x2] =	stream.indirect_vreg.gather [hbm4b:s1+s3], $0x80, v3, vm0, $0xb8;
	[tilespmem:$0x10200] =	vst v63  }
0x134: {  	v3 =	vld [tilespmem:$0x1A0];
	_ =	sdelay $0x4  }
0x135: {  	v58 =	vshll.u32 v3, $0x1  }
0x136: {  	v3 =	vand.u32 $0x7, v3;
	v4 =	vand.u32 $0xFFFFFFF0, v58  }
0x137: {  	v3 =	vor.u32 v3, v4  }
0x138: {  	v4 =	vperm.xlane v3, v0;
	_ =	sdelay $0x1  }
0x139: {  	v3 =	vperm.xlane v3, v2;
	v4 =	vadd.s32 v1, v4;
	_ =	sdelay $0x1  }
0x13a: {  	v3 =	vadd.s32 v1, v3;
	_ =	sdelay $0x2  }
0x13b: {  	[tilespmem:s8], [sflag:$0x2] =	stream.indirect_vreg.gather [hbm4b:s1+s3], $0x80, v4, vm0, $0xb8;
	[tilespmem:$0x10200] =	vst v63  }
0x13c: {  	_ = 	snop  }
0x13d: {  	[tilespmem:s9], [sflag:$0x2] =	stream.indirect_vreg.gather [hbm4b:s1+s3], $0x80, v3, vm0, $0xb8;
	[tilespmem:$0x10200] =	vst v63  }
0x13e: {  	v3 =	vld [tilespmem:$0x1B0];
	_ =	sdelay $0x4  }
0x13f: {  	v59 =	vshll.u32 v3, $0x1  }
0x140: {  	v3 =	vand.u32 $0x7, v3;
	v4 =	vand.u32 $0xFFFFFFF0, v59  }
0x141: {  	v3 =	vor.u32 v3, v4  }
0x142: {  	v4 =	vperm.xlane v3, v0;
	_ =	sdelay $0x1  }
0x143: {  	v3 =	vperm.xlane v3, v2;
	v4 =	vadd.s32 v1, v4;
	_ =	sdelay $0x1  }
0x144: {  	v3 =	vadd.s32 v1, v3;
	_ =	sdelay $0x2  }
0x145: {  	[tilespmem:s10], [sflag:$0x2] =	stream.indirect_vreg.gather [hbm4b:s1+s3], $0x80, v4, vm0, $0xb8;
	[tilespmem:$0x10200] =	vst v63  }
0x146: {  	_ = 	snop  }
0x147: {  	[tilespmem:s11], [sflag:$0x2] =	stream.indirect_vreg.gather [hbm4b:s1+s3], $0x80, v3, vm0, $0xb8;
	[tilespmem:$0x10200] =	vst v63  }
0x148: {  	v3 =	vld [tilespmem:$0x1C0];
	_ =	sdelay $0x4  }
0x149: {  	v60 =	vshll.u32 v3, $0x1  }
0x14a: {  	v3 =	vand.u32 $0x7, v3;
	v4 =	vand.u32 $0xFFFFFFF0, v60  }
0x14b: {  	v3 =	vor.u32 v3, v4  }
0x14c: {  	v4 =	vperm.xlane v3, v0;
	_ =	sdelay $0x1  }
0x14d: {  	v3 =	vperm.xlane v3, v2;
	v4 =	vadd.s32 v1, v4;
	_ =	sdelay $0x1  }
0x14e: {  	v3 =	vadd.s32 v1, v3;
	_ =	sdelay $0x2  }
0x14f: {  	[tilespmem:s6], [sflag:$0x2] =	stream.indirect_vreg.gather [hbm4b:s1+s3], $0x80, v4, vm0, $0xb8;
	[tilespmem:$0x10200] =	vst v63  }
0x150: {  	s14 =	simm.s32 $0xCA00  }
0x151: {  	[tilespmem:s14], [sflag:$0x2] =	stream.indirect_vreg.gather [hbm4b:s1+s3], $0x80, v3, vm0, $0xb8;
	[tilespmem:$0x10200] =	vst v63  }
0x152: {  	v3 =	vld [tilespmem:$0x1D0];
	_ =	sdelay $0x4  }
0x153: {  	v61 =	vshll.u32 v3, $0x1  }
0x154: {  	v3 =	vand.u32 $0x7, v3;
	v4 =	vand.u32 $0xFFFFFFF0, v61  }
0x155: {  	v3 =	vor.u32 v3, v4  }
0x156: {  	v4 =	vperm.xlane v3, v0;
	_ =	sdelay $0x1  }
0x157: {  	v3 =	vperm.xlane v3, v2;
	v4 =	vadd.s32 v1, v4;
	_ =	sdelay $0x1  }
0x158: {  	v3 =	vadd.s32 v1, v3;
	_ =	sdelay $0x1  }
0x159: {  	s12 =	simm.s32 $0xD200  }
0x15a: {  	[tilespmem:s12], [sflag:$0x2] =	stream.indirect_vreg.gather [hbm4b:s1+s3], $0x80, v4, vm0, $0xb8;
	[tilespmem:$0x10200] =	vst v63  }
0x15b: {  	s14 =	simm.s32 $0xDA00  }
0x15c: {  	[tilespmem:s14], [sflag:$0x2] =	stream.indirect_vreg.gather [hbm4b:s1+s3], $0x80, v3, vm0, $0xb8;
	[tilespmem:$0x10200] =	vst v63  }
0x15d: {  	v3 =	vld [tilespmem:$0x1E0];
	_ =	sdelay $0x4  }
0x15e: {  	v62 =	vshll.u32 v3, $0x1  }
0x15f: {  	v3 =	vand.u32 $0x7, v3;
	v4 =	vand.u32 $0xFFFFFFF0, v62  }
0x160: {  	v3 =	vor.u32 v3, v4  }
0x161: {  	v4 =	vperm.xlane v3, v0;
	_ =	sdelay $0x1  }
0x162: {  	v3 =	vperm.xlane v3, v2;
	v4 =	vadd.s32 v1, v4;
	_ =	sdelay $0x1  }
0x163: {  	v3 =	vadd.s32 v1, v3;
	_ =	sdelay $0x1  }
0x164: {  	s12 =	simm.s32 $0xE200  }
0x165: {  	[tilespmem:s12], [sflag:$0x2] =	stream.indirect_vreg.gather [hbm4b:s1+s3], $0x80, v4, vm0, $0xb8;
	[tilespmem:$0x10200] =	vst v63  }
0x166: {  	s14 =	simm.s32 $0xEA00  }
0x167: {  	[tilespmem:s14], [sflag:$0x2] =	stream.indirect_vreg.gather [hbm4b:s1+s3], $0x80, v3, vm0, $0xb8;
	[tilespmem:$0x10200] =	vst v63  }
0x168: {  	v3 =	vld [tilespmem:$0x1F0];
	_ =	sdelay $0x4  }
0x169: {  	v63 =	vshll.u32 v3, $0x1  }
0x16a: {  	v3 =	vand.u32 $0x7, v3;
	v4 =	vand.u32 $0xFFFFFFF0, v63  }
0x16b: {  	v3 =	vor.u32 v3, v4  }
0x16c: {  	v4 =	vperm.xlane v3, v0;
	_ =	sdelay $0x1  }
0x16d: {  	v3 =	vperm.xlane v3, v2;
	v4 =	vadd.s32 v1, v4;
	_ =	sdelay $0x1  }
0x16e: {  	v3 =	vadd.s32 v1, v3;
	_ =	sdelay $0x1  }
0x16f: {  	s12 =	simm.s32 $0xF200  }
0x170: {  	[tilespmem:s12], [sflag:$0x2] =	stream.indirect_vreg.gather [hbm4b:s1+s3], $0x80, v4, vm0, $0xb8;
	[tilespmem:$0x10200] =	vst v63  }
0x171: {  	s14 =	simm.s32 $0xFA00  }
0x172: {  	[tilespmem:s14], [sflag:$0x2] =	stream.indirect_vreg.gather [hbm4b:s1+s3], $0x80, v3, vm0, $0xb8;
	[tilespmem:$0x10200] =	vst v63  }
0x173: {  	_ =	swait.ge [sflag:s2], $0x8000  }
0x174: {  	[sflag:s2] =	ssyncset.done $0x0  }
0x175: {  	s12 =	simm.s32 $0x200;
	s6 =	rddreg [dreg:$0x7];
	[sflag:s2] =	ssyncadd.s32 $0xFFFF8000  }
0x176: {  	[hbm4b:s6+s3] =	stream.linear.scatter [tilespmem:s12], [sflag:$0x3], $0x8000, $0x38;
	[tilespmem:$0x10200] =	vst v63  }
0x177: {  	_ =	swait.ge [sflag:s5], $0x8000  }
0x178: {  	[sflag:s5] =	ssyncset.done $0x0  }
0x179: {  	[sflag:s5] =	ssyncadd.s32 $0xFFFF8000  }
0x17a: {  	_ =	swait.ge [sflag:s13], $0x8000  }
0x17b: {  	p0 =	sne.s32 s4, $0x1;
	[sflag:s13] =	ssyncset.done $0x0  }
.Ltmp0:
0x17c: {  	s12 =	rddreg [dreg:$0x8];
	[sflag:s13] =	ssyncadd.s32 $0xFFFF8000;
	(pc) =	sbr.rel @p0 .LBB2_1-.Ltmp0, $4  }
0x17d: {  	[hbm4b:s12+s3] =	stream.linear.scatter [tilespmem:s0], [sflag:$0x3], $0x8000, $0x38;
	[tilespmem:$0x10200] =	vst v63  }
0x17e: {  	_ =	swait.ge [sflag:s5], $0x8000  }
0x17f: {  	[sflag:s5] =	ssyncset.done $0x0  }
0x180: {  	s4 =	sadd.s32 $0xFFFFFFFF, s4;
	[sflag:s5] =	ssyncadd.s32 $0xFFFF8000  }
0x181: {  	_ =	sfence.sel $0x180000  }
0x182: {  	[bflag:$0x0] =	sbarrier.arrive $0xFFFF  }
0x183: {  	_ =	strace $0x9000004A  }
0x184: {  	s0 =	stileid.u32;
	[bflag:$0x2] =	sbarrier.arrive $0xFFFF  }
0x185: {  	p0 =	sne.s32 s0, $0x0;
	s0 =	rddreg [dreg:$0x3]  }
0x186: {  	s0 =	sadd.s32 @!p0 $0x100000, s0  }
0x187: {  	[sflag:s0] =	ssyncadd.tile.s32 @!p0 $0x1;
	_ =	shalt  }
.Lfunc_end2:
_tile_overlayer_lowered:
.L_overlay_start_2:
0x188: {  	(tag) =	ssettag $0x2  }
0x189: {  	s0 =	rddreg [dreg:$0x0];
	s2 =	stileid.u32  }
0x18a: {  	s1 =	rddreg [dreg:$0x1];
	p0 =	sne.s32 s2, $0x0  }
0x18b: {  	s3 =	rddreg [dreg:$0x2];
	[bflag:$0x3] =	sbarrier.arrive $0xFFFF;
	s2 =	simm.s32 @!p0 $0x1C03  }
0x18c: {  	[timem:s3], [sflag:s2] =	dma.local @!p0 [hbm:s0], s1  }
0x18d: {  	s0 =	simm.s32 @!p0 $0x3  }
0x18e: {  	_ =	swait.ge @!p0 [sflag:s0], s1  }
0x18f: {  	s1 =	ssub.s32 @!p0 $0x0, s1;
	[sflag:s0] =	ssyncset.done @!p0 $0x0  }
0x190: {  	[sflag:s0] =	ssyncadd.s32 @!p0 s1  }
0x191: {  	[bflag:$0x3] =	sbarrier.arrive $0xFFFF  }
0x192: {  	_ =	shalt  }

</sc_bundles>
